<compile_context>
chip_gen: v7x
topology: tpu7x:2x2x1
jax: 0.10.2.dev20260603
libtpu: 0.0.44.dev20260713+nightly
codegen_flags: <defaults>
</compile_context>

<pallas_src>
import functools

import jax
import jax.numpy as jnp
from jax import lax
from jax.experimental import pallas as pl
from jax.experimental.pallas import tpu as pltpu
from jax.experimental.pallas import tpu_sc as plsc

_ALPHA = 0.01
_NEG_INF = -1e30
_BM = 512
_N = 2048
_D = 1024
_E = 8
_I = 512
_MR = _N * 2 + _E * _BM
_G = _MR // _BM
_NW = 32


def _router_body(x_ref, gwt_ref, pos_ref, w1b_ref, w2b_ref,
                 meta_ref, aux_ref):
    x = x_ref[...]
    gwt = gwt_ref[...]
    n = x.shape[0]
    logits = lax.dot_general(
        x, gwt, (((1,), (0,)), ((), ())),
        preferred_element_type=jnp.float32,
    )
    cols = lax.broadcasted_iota(jnp.int32, logits.shape, 1)
    valid_col = cols < _E
    masked = jnp.where(valid_col, logits, _NEG_INF)
    m = jnp.max(masked, axis=-1, keepdims=True)
    p = jnp.where(valid_col, jnp.exp(masked - m), 0.0)
    z = jnp.sum(p, axis=-1, keepdims=True)
    scores = p / z
    i1 = jnp.min(jnp.where(masked == m, cols, 127), axis=-1, keepdims=True)
    masked2 = jnp.where(cols == i1, _NEG_INF, masked)
    m2 = jnp.max(masked2, axis=-1, keepdims=True)
    i2 = jnp.min(jnp.where(masked2 == m2, cols, 127), axis=-1, keepdims=True)
    e1 = jnp.exp(m - m)
    e2 = jnp.exp(m2 - m)
    w1b_ref[...] = jnp.broadcast_to(e1 / (e1 + e2), (n, 16))
    w2b_ref[...] = jnp.broadcast_to(e2 / (e1 + e2), (n, 16))
    picks = (cols == i1).astype(jnp.float32) + (cols == i2).astype(jnp.float32)
    counts_tok = jnp.sum(picks, axis=0)
    sum_scores = jnp.sum(scores, axis=0)
    aux_ref[0, 0] = _ALPHA * _E * jnp.sum(
        (counts_tok / (n * 2)) * (sum_scores / n))

    i_slot = jnp.concatenate([i1, i2], axis=0)
    cols_a = lax.broadcasted_iota(jnp.int32, (2 * n, 128), 1)
    a = (cols_a == i_slot).astype(jnp.float32)
    c = 512
    ri = lax.broadcasted_iota(jnp.int32, (c, c), 0)
    ci = lax.broadcasted_iota(jnp.int32, (c, c), 1)
    l_strict = (ri > ci).astype(jnp.float32)
    running = jnp.zeros((1, 128), jnp.float32)
    p_blocks = []
    for cb in range(2 * n // c):
        blk = a[cb * c:(cb + 1) * c]
        p_in = lax.dot_general(l_strict, blk, (((1,), (0,)), ((), ())),
                               preferred_element_type=jnp.float32)
        p_blocks.append(p_in + running)
        running = running + jnp.sum(blk, axis=0, keepdims=True)
    prefix = jnp.concatenate(p_blocks, axis=0)
    counts = running
    pc = jnp.ceil(counts / _BM) * _BM
    ri8 = lax.broadcasted_iota(jnp.int32, (128, 128), 0)
    ci8 = lax.broadcasted_iota(jnp.int32, (128, 128), 1)
    u_strict = (ri8 < ci8).astype(jnp.float32)
    pad_off = lax.dot_general(pc, u_strict, (((1,), (0,)), ((), ())),
                              preferred_element_type=jnp.float32)
    cum = pad_off + pc
    r_tot = jnp.sum(jnp.where(cols[:1] == _E, pad_off, 0.0),
                    axis=1, keepdims=True)
    pos = jnp.sum(jnp.where(cols_a == i_slot, pad_off + prefix, 0.0),
                  axis=1, keepdims=True)
    pos_ref[...] = pos.astype(jnp.int32)
    s_lane = lax.broadcasted_iota(jnp.int32, (1, 128), 1)
    startf = (s_lane * _BM).astype(jnp.float32)
    eid = jnp.zeros((1, 128), jnp.float32)
    eid_last = jnp.zeros((1, 1), jnp.float32)
    for e in range(_E):
        ce = jnp.sum(jnp.where(cols[:1] == e, cum, 0.0), axis=1, keepdims=True)
        eid = eid + (startf >= ce).astype(jnp.float32)
        eid_last = eid_last + (r_tot - _BM >= ce).astype(jnp.float32)
    blk_valid = startf < r_tot
    eid = jnp.where(blk_valid, eid, eid_last)
    bid = jnp.where(blk_valid, s_lane,
                    (r_tot / _BM).astype(jnp.int32) - 1)
    meta = jnp.concatenate([
        eid.astype(jnp.int32),
        bid.astype(jnp.int32),
        blk_valid.astype(jnp.int32),
        jnp.broadcast_to(r_tot.astype(jnp.int32), (1, 128)),
        jnp.zeros((4, 128), jnp.int32),
    ], axis=0)
    meta_ref[...] = meta


def _sc_scatter_body(flat_hbm, pos_hbm, xpad_hbm,
                     rows_a, rows_b, idx0a_v, idx1a_v, idx0b_v, idx1b_v,
                     lsem_a, lsem_b, ssem):
    wid = lax.axis_index("s") * 2 + lax.axis_index("c")
    tpw = _N // _NW
    sub = tpw // 2
    b0 = wid * tpw
    b1 = b0 + sub
    la = pltpu.async_copy(flat_hbm.at[pl.ds(b0, sub)], rows_a, lsem_a)
    lb = pltpu.async_copy(flat_hbm.at[pl.ds(b1, sub)], rows_b, lsem_b)
    pltpu.sync_copy(pos_hbm.at[pl.ds(b0, sub)], idx0a_v)
    pltpu.sync_copy(pos_hbm.at[pl.ds(_N + b0, sub)], idx1a_v)
    pltpu.sync_copy(pos_hbm.at[pl.ds(b1, sub)], idx0b_v)
    pltpu.sync_copy(pos_hbm.at[pl.ds(_N + b1, sub)], idx1b_v)
    la.wait()
    s0a = pltpu.async_copy(rows_a, xpad_hbm.at[idx0a_v], ssem)
    s1a = pltpu.async_copy(rows_a, xpad_hbm.at[idx1a_v], ssem)
    lb.wait()
    s0b = pltpu.async_copy(rows_b, xpad_hbm.at[idx0b_v], ssem)
    s1b = pltpu.async_copy(rows_b, xpad_hbm.at[idx1b_v], ssem)
    s0a.wait()
    s1a.wait()
    s0b.wait()
    s1b.wait()


def _shared_body(x_ref, sg_ref, su_ref, sd_ref, y_ref):
    x = x_ref[...].astype(jnp.bfloat16)
    sg = sg_ref[0].astype(jnp.bfloat16)
    su = su_ref[0].astype(jnp.bfloat16)
    sd = sd_ref[0].astype(jnp.bfloat16)
    g = lax.dot_general(x, sg, (((1,), (1,)), ((), ())),
                        preferred_element_type=jnp.float32)
    u = lax.dot_general(x, su, (((1,), (1,)), ((), ())),
                        preferred_element_type=jnp.float32)
    act = (g * jax.nn.sigmoid(g) * u).astype(jnp.bfloat16)
    y = lax.dot_general(act, sd, (((1,), (1,)), ((), ())),
                        preferred_element_type=jnp.float32)
    y_ref[...] = y.astype(jnp.bfloat16)


def _gmm_body(eid_ref, bid_ref, valid_ref, x_ref, wg_ref, wu_ref, wd_ref,
              y_ref):
    s = pl.program_id(0)

    @pl.when(valid_ref[s] == 1)
    def _():
        x = x_ref[...].astype(jnp.bfloat16)
        wg = wg_ref[0].astype(jnp.bfloat16)
        wu = wu_ref[0].astype(jnp.bfloat16)
        wd = wd_ref[0].astype(jnp.bfloat16)
        g = lax.dot_general(x, wg, (((1,), (1,)), ((), ())),
                            preferred_element_type=jnp.float32)
        u = lax.dot_general(x, wu, (((1,), (1,)), ((), ())),
                            preferred_element_type=jnp.float32)
        act = (g * jax.nn.sigmoid(g) * u).astype(jnp.bfloat16)
        y_ref[...] = lax.dot_general(act, wd, (((1,), (1,)), ((), ())),
                                     preferred_element_type=jnp.float32)


def _sc_gather_body(ypad_hbm, pos_hbm, y0g_hbm, y1g_hbm,
                    buf_a, buf_b, buf_c,
                    i0a_v, i1a_v, i0b_v, i1b_v,
                    sem_a, sem_b, sem_c, wsem_a, wsem_b, wsem_c):
    wid = lax.axis_index("s") * 2 + lax.axis_index("c")
    tpw = _N // _NW
    sub = tpw // 2
    b0 = wid * tpw
    b1 = b0 + sub
    pltpu.sync_copy(pos_hbm.at[pl.ds(b0, sub)], i0a_v)
    pltpu.sync_copy(pos_hbm.at[pl.ds(_N + b0, sub)], i1a_v)
    pltpu.sync_copy(pos_hbm.at[pl.ds(b1, sub)], i0b_v)
    pltpu.sync_copy(pos_hbm.at[pl.ds(_N + b1, sub)], i1b_v)
    g0 = pltpu.async_copy(ypad_hbm.at[i0a_v], buf_a, sem_a)
    g1 = pltpu.async_copy(ypad_hbm.at[i1a_v], buf_b, sem_b)
    g0.wait()
    w_a = pltpu.async_copy(buf_a, y0g_hbm.at[pl.ds(b0, sub)], wsem_a)
    g2 = pltpu.async_copy(ypad_hbm.at[i0b_v], buf_c, sem_c)
    g1.wait()
    w_b = pltpu.async_copy(buf_b, y1g_hbm.at[pl.ds(b0, sub)], wsem_b)
    w_a.wait()
    g3 = pltpu.async_copy(ypad_hbm.at[i1b_v], buf_a, sem_a)
    g2.wait()
    w_c = pltpu.async_copy(buf_c, y0g_hbm.at[pl.ds(b1, sub)], wsem_c)
    g3.wait()
    w_a2 = pltpu.async_copy(buf_a, y1g_hbm.at[pl.ds(b1, sub)], wsem_a)
    w_b.wait()
    w_c.wait()
    w_a2.wait()


def _add_body(y0_ref, y1_ref, ysh_ref, w1_ref, w2_ref, out_ref):
    w1 = w1_ref[...][:, :1]
    w2 = w2_ref[...][:, :1]
    ysh = ysh_ref[...].astype(jnp.float32)
    out_ref[...] = w1 * y0_ref[...] + w2 * y1_ref[...] + ysh


def kernel(hidden_states, gate_w, Wg, Wu, Wd, Sg, Su, Sd):
    b, t, d = hidden_states.shape
    n = b * t
    flat = hidden_states.reshape(n, d)
    gwt = jnp.pad(gate_w.T, ((0, 0), (0, 128 - _E)))

    pos, w1b, w2b, meta, aux = pl.pallas_call(
        _router_body,
        out_shape=(
            jax.ShapeDtypeStruct((2 * n, 1), jnp.int32),
            jax.ShapeDtypeStruct((n, 16), jnp.float32),
            jax.ShapeDtypeStruct((n, 16), jnp.float32),
            jax.ShapeDtypeStruct((8, 128), jnp.int32),
            jax.ShapeDtypeStruct((1, 1), jnp.float32),
        ),
        in_specs=[
            pl.BlockSpec((n, d), lambda: (0, 0)),
            pl.BlockSpec((d, 128), lambda: (0, 0)),
        ],
        out_specs=(
            pl.BlockSpec((2 * n, 1), lambda: (0, 0)),
            pl.BlockSpec((n, 16), lambda: (0, 0)),
            pl.BlockSpec((n, 16), lambda: (0, 0)),
            pl.BlockSpec((8, 128), lambda: (0, 0)),
            pl.BlockSpec(memory_space=pltpu.SMEM),
        ),
    )(flat, gwt)

    pos_all = pos.reshape(2 * n)
    eid = meta[0, :_G]
    bid = meta[1, :_G]
    blk_valid = meta[2, :_G]

    mesh = plsc.VectorSubcoreMesh(core_axis_name="c", subcore_axis_name="s")
    sc_scatter = functools.partial(
        pl.kernel, mesh=mesh,
        out_type=jax.ShapeDtypeStruct((_MR, d), jnp.float32),
        scratch_types=[
            pltpu.VMEM((32, d), jnp.float32),
            pltpu.VMEM((32, d), jnp.float32),
            pltpu.VMEM((32,), jnp.int32),
            pltpu.VMEM((32,), jnp.int32),
            pltpu.VMEM((32,), jnp.int32),
            pltpu.VMEM((32,), jnp.int32),
            pltpu.SemaphoreType.DMA,
            pltpu.SemaphoreType.DMA,
            pltpu.SemaphoreType.DMA,
        ],
    )(_sc_scatter_body)
    x_pad = sc_scatter(flat, pos_all)

    ysh = pl.pallas_call(
        _shared_body,
        grid=(4,),
        out_shape=jax.ShapeDtypeStruct((n, d), jnp.bfloat16),
        in_specs=[
            pl.BlockSpec((n // 4, d), lambda s: (s, 0)),
            pl.BlockSpec((1, _I, d), lambda s: (0, 0, 0)),
            pl.BlockSpec((1, _I, d), lambda s: (0, 0, 0)),
            pl.BlockSpec((1, d, _I), lambda s: (0, 0, 0)),
        ],
        out_specs=pl.BlockSpec((n // 4, d), lambda s: (s, 0)),
    )(flat, Sg, Su, Sd)

    grid_spec = pltpu.PrefetchScalarGridSpec(
        num_scalar_prefetch=3,
        grid=(_G,),
        in_specs=[
            pl.BlockSpec((_BM, d), lambda s, eid, bid, vld: (bid[s], 0)),
            pl.BlockSpec((1, _I, d), lambda s, eid, bid, vld: (eid[s], 0, 0)),
            pl.BlockSpec((1, _I, d), lambda s, eid, bid, vld: (eid[s], 0, 0)),
            pl.BlockSpec((1, d, _I), lambda s, eid, bid, vld: (eid[s], 0, 0)),
        ],
        out_specs=pl.BlockSpec((_BM, d), lambda s, eid, bid, vld: (bid[s], 0)),
    )
    y_pad = pl.pallas_call(
        _gmm_body,
        grid_spec=grid_spec,
        out_shape=jax.ShapeDtypeStruct((_MR, d), jnp.float32),
    )(eid, bid, blk_valid, x_pad, Wg, Wu, Wd)

    sc_gather = functools.partial(
        pl.kernel, mesh=mesh,
        out_type=(
            jax.ShapeDtypeStruct((n, d), jnp.float32),
            jax.ShapeDtypeStruct((n, d), jnp.float32),
        ),
        scratch_types=[
            pltpu.VMEM((32, d), jnp.float32),
            pltpu.VMEM((32, d), jnp.float32),
            pltpu.VMEM((32, d), jnp.float32),
            pltpu.VMEM((32,), jnp.int32),
            pltpu.VMEM((32,), jnp.int32),
            pltpu.VMEM((32,), jnp.int32),
            pltpu.VMEM((32,), jnp.int32),
            pltpu.SemaphoreType.DMA,
            pltpu.SemaphoreType.DMA,
            pltpu.SemaphoreType.DMA,
            pltpu.SemaphoreType.DMA,
            pltpu.SemaphoreType.DMA,
            pltpu.SemaphoreType.DMA,
        ],
    )(_sc_gather_body)
    y0g, y1g = sc_gather(y_pad, pos_all)

    out_flat = pl.pallas_call(
        _add_body,
        grid=(4,),
        out_shape=jax.ShapeDtypeStruct((n, d), jnp.float32),
        in_specs=[
            pl.BlockSpec((n // 4, d), lambda s: (s, 0)),
            pl.BlockSpec((n // 4, d), lambda s: (s, 0)),
            pl.BlockSpec((n // 4, d), lambda s: (s, 0)),
            pl.BlockSpec((n // 4, 16), lambda s: (s, 0)),
            pl.BlockSpec((n // 4, 16), lambda s: (s, 0)),
        ],
        out_specs=pl.BlockSpec((n // 4, d), lambda s: (s, 0)),
    )(y0g, y1g, ysh, w1b, w2b)

    return out_flat.reshape(b, t, d), aux[0, 0]

# --- scband reference (transcript-rebuilt; emitter-appended) ---
"""Pipeline reference for scband-mo-elayer-71176198029865 (READ-ONLY COPY).

The authoritative reference and input builder live on the scoring server;
editing this copy changes nothing except your own understanding.
"""

import jax, jax.numpy as jnp
import numpy as np

B, T, D = 1, 2048, 1024
E, K, I, S = 8, 2, 512, 1
ALPHA = 0.01


def _silu(x):
    return x * jax.nn.sigmoid(x)


def setup_inputs(seed: int = 0) -> dict:
    key = jax.random.key(seed)
    ks = jax.random.split(key, 8)
    sD = 1.0 / np.sqrt(D)
    sI = 1.0 / np.sqrt(I)
    hidden_states = jax.random.normal(ks[0], (B, T, D), dtype=jnp.float32)
    gate_w = jax.random.normal(ks[1], (E, D), dtype=jnp.float32) * sD
    Wg = jax.random.normal(ks[2], (E, I, D), dtype=jnp.float32) * sD
    Wu = jax.random.normal(ks[3], (E, I, D), dtype=jnp.float32) * sD
    Wd = jax.random.normal(ks[4], (E, D, I), dtype=jnp.float32) * sI
    Sg = jax.random.normal(ks[5], (S, I, D), dtype=jnp.float32) * sD
    Su = jax.random.normal(ks[6], (S, I, D), dtype=jnp.float32) * sD
    Sd = jax.random.normal(ks[7], (S, D, I), dtype=jnp.float32) * sI
    return {"hidden_states": hidden_states, "gate_w": gate_w, "Wg": Wg, "Wu": Wu, "Wd": Wd, "Sg": Sg, "Su": Su, "Sd": Sd}


def reference(hidden_states, gate_w, Wg, Wu, Wd, Sg, Su, Sd):
    Bb, Tt, Dd = hidden_states.shape
    flat = hidden_states.reshape(Bb * Tt, Dd)
    N = flat.shape[0]
    # --- gate ---
    logits = flat @ gate_w.T
    scores = jax.nn.softmax(logits, axis=-1)
    topk_w, topk_i = jax.lax.top_k(scores, K)
    topk_w = topk_w / jnp.sum(topk_w, axis=-1, keepdims=True)
    # aux load-balance loss (training mode)
    expert_mask = jax.nn.one_hot(topk_i, E, dtype=jnp.float32)  # (N, K, E)
    tokens_per_expert = expert_mask.sum(axis=(0, 1)) / (N * K)
    mean_prob = scores.mean(axis=0)
    aux_loss = ALPHA * E * jnp.sum(tokens_per_expert * mean_prob)
    # per-token combine weight for each expert (N, E)
    combine = jnp.sum(expert_mask * topk_w[..., None], axis=1)
    # --- routed experts (dense-dispatch formulation, mathematically identical) ---
    g = jnp.einsum('nd,eid->nei', flat, Wg)
    u = jnp.einsum('nd,eid->nei', flat, Wu)
    act = _silu(g) * u
    out_e = jnp.einsum('nei,edi->ned', act, Wd)
    expert_output = jnp.einsum('ne,ned->nd', combine, out_e)
    # --- shared experts ---
    sg = jnp.einsum('nd,sid->nsi', flat, Sg)
    su = jnp.einsum('nd,sid->nsi', flat, Su)
    sact = _silu(sg) * su
    shared_output = jnp.einsum('nsi,sdi->nd', sact, Sd)
    output = (expert_output + shared_output).reshape(Bb, Tt, Dd)
    return output, aux_loss

if __name__ == "__main__":
    import jax
    _d = setup_inputs()
    print(jax.jit(kernel)(*tuple(_d.values())))

</pallas_src>

<mosaic_0001>
#map = affine_map<(d0, d1) -> (0, 0)>
#map1 = affine_map<(d0, d1) -> (0)>
module attributes {stable_mosaic.version = 14 : i64} {
  func.func @_sc_gather_body(%arg0: i32, %arg1: i32, %arg2: memref<8192x1024xf32, #tpu.memory_space<hbm>>, %arg3: memref<4096xi32, #tpu.memory_space<hbm>>, %arg4: memref<2048x1024xf32, #tpu.memory_space<hbm>>, %arg5: memref<2048x1024xf32, #tpu.memory_space<hbm>>, %arg6: memref<32x1024xf32, #tpu.memory_space<vmem>>, %arg7: memref<32x1024xf32, #tpu.memory_space<vmem>>, %arg8: memref<32x1024xf32, #tpu.memory_space<vmem>>, %arg9: memref<32xi32, #tpu.memory_space<vmem>>, %arg10: memref<32xi32, #tpu.memory_space<vmem>>, %arg11: memref<32xi32, #tpu.memory_space<vmem>>, %arg12: memref<32xi32, #tpu.memory_space<vmem>>, %arg13: memref<!tpu.dma_semaphore, #tpu.memory_space<semaphore_mem>>, %arg14: memref<!tpu.dma_semaphore, #tpu.memory_space<semaphore_mem>>, %arg15: memref<!tpu.dma_semaphore, #tpu.memory_space<semaphore_mem>>, %arg16: memref<!tpu.dma_semaphore, #tpu.memory_space<semaphore_mem>>, %arg17: memref<!tpu.dma_semaphore, #tpu.memory_space<semaphore_mem>>, %arg18: memref<!tpu.dma_semaphore, #tpu.memory_space<semaphore_mem>>) attributes {dimension_semantics = [#tpu.dimension_semantics<core_parallel>, #tpu.dimension_semantics<subcore_parallel>], iteration_bounds = array<i64: 2, 16>, scalar_prefetch = 0 : i64, scratch_operands = 13 : i64, tpu.core_type = #tpu.core_type<sc_vector_subcore>, window_params = [{transform_indices = #map}, {transform_indices = #map1}, {transform_indices = #map}, {transform_indices = #map}]} {
    %mul3A = arith.constant 2 : i32
    %mul3A_0 = arith.muli %arg1, %mul3A : i32
    %add3A = arith.addi %mul3A_0, %arg0 : i32
    %mul3A_1 = arith.constant 64 : i32
    %mul3A_2 = arith.muli %add3A, %mul3A_1 : i32
    %add3A_3 = arith.constant 32 : i32
    %add3A_4 = arith.addi %mul3A_2, %add3A_3 : i32
    "tpu.region"() ({
      %run_scoped3A = tpu.sem_alloc : memref<!tpu.dma_semaphore, #tpu.memory_space<semaphore_mem>>
      %dma_start3A_63 = tpu.memref_slice %arg3[%mul3A_2] : memref<4096xi32, #tpu.memory_space<hbm>> -> memref<32xi32, #tpu.memory_space<hbm>>
      %dma_start3A_64 = tpu.memref_slice %arg3[%mul3A_2] : memref<4096xi32, #tpu.memory_space<hbm>> -> memref<32xi32, #tpu.memory_space<hbm>>
      tpu.enqueue_dma source(%dma_start3A_64 : memref<32xi32, #tpu.memory_space<hbm>>) target(%arg9 : memref<32xi32, #tpu.memory_space<vmem>>) target_semaphore(%run_scoped3A : memref<!tpu.dma_semaphore, #tpu.memory_space<semaphore_mem>>)
      %dma_wait3A_65 = tpu.memref_slice %arg3[%mul3A_2] : memref<4096xi32, #tpu.memory_space<hbm>> -> memref<32xi32, #tpu.memory_space<hbm>>
      %dma_wait3A_66 = tpu.memref_slice %arg3[%mul3A_2] : memref<4096xi32, #tpu.memory_space<hbm>> -> memref<32xi32, #tpu.memory_space<hbm>>
      tpu.wait_dma2 semaphore(%run_scoped3A : memref<!tpu.dma_semaphore, #tpu.memory_space<semaphore_mem>>) src(%dma_wait3A_66 : memref<32xi32, #tpu.memory_space<hbm>>) dst(%arg9 : memref<32xi32, #tpu.memory_space<vmem>>)
      tpu.yield
    }) : () -> ()
    %add3A_5 = arith.constant 2048 : i32
    %add3A_6 = arith.addi %add3A_5, %mul3A_2 : i32
    "tpu.region"() ({
      %run_scoped3A = tpu.sem_alloc : memref<!tpu.dma_semaphore, #tpu.memory_space<semaphore_mem>>
      %dma_start3A_63 = tpu.memref_slice %arg3[%add3A_6] : memref<4096xi32, #tpu.memory_space<hbm>> -> memref<32xi32, #tpu.memory_space<hbm>>
      %dma_start3A_64 = tpu.memref_slice %arg3[%add3A_6] : memref<4096xi32, #tpu.memory_space<hbm>> -> memref<32xi32, #tpu.memory_space<hbm>>
      tpu.enqueue_dma source(%dma_start3A_64 : memref<32xi32, #tpu.memory_space<hbm>>) target(%arg10 : memref<32xi32, #tpu.memory_space<vmem>>) target_semaphore(%run_scoped3A : memref<!tpu.dma_semaphore, #tpu.memory_space<semaphore_mem>>)
      %dma_wait3A_65 = tpu.memref_slice %arg3[%add3A_6] : memref<4096xi32, #tpu.memory_space<hbm>> -> memref<32xi32, #tpu.memory_space<hbm>>
      %dma_wait3A_66 = tpu.memref_slice %arg3[%add3A_6] : memref<4096xi32, #tpu.memory_space<hbm>> -> memref<32xi32, #tpu.memory_space<hbm>>
      tpu.wait_dma2 semaphore(%run_scoped3A : memref<!tpu.dma_semaphore, #tpu.memory_space<semaphore_mem>>) src(%dma_wait3A_66 : memref<32xi32, #tpu.memory_space<hbm>>) dst(%arg10 : memref<32xi32, #tpu.memory_space<vmem>>)
      tpu.yield
    }) : () -> ()
    "tpu.region"() ({
      %run_scoped3A = tpu.sem_alloc : memref<!tpu.dma_semaphore, #tpu.memory_space<semaphore_mem>>
      %dma_start3A_63 = tpu.memref_slice %arg3[%add3A_4] : memref<4096xi32, #tpu.memory_space<hbm>> -> memref<32xi32, #tpu.memory_space<hbm>>
      %dma_start3A_64 = tpu.memref_slice %arg3[%add3A_4] : memref<4096xi32, #tpu.memory_space<hbm>> -> memref<32xi32, #tpu.memory_space<hbm>>
      tpu.enqueue_dma source(%dma_start3A_64 : memref<32xi32, #tpu.memory_space<hbm>>) target(%arg11 : memref<32xi32, #tpu.memory_space<vmem>>) target_semaphore(%run_scoped3A : memref<!tpu.dma_semaphore, #tpu.memory_space<semaphore_mem>>)
      %dma_wait3A_65 = tpu.memref_slice %arg3[%add3A_4] : memref<4096xi32, #tpu.memory_space<hbm>> -> memref<32xi32, #tpu.memory_space<hbm>>
      %dma_wait3A_66 = tpu.memref_slice %arg3[%add3A_4] : memref<4096xi32, #tpu.memory_space<hbm>> -> memref<32xi32, #tpu.memory_space<hbm>>
      tpu.wait_dma2 semaphore(%run_scoped3A : memref<!tpu.dma_semaphore, #tpu.memory_space<semaphore_mem>>) src(%dma_wait3A_66 : memref<32xi32, #tpu.memory_space<hbm>>) dst(%arg11 : memref<32xi32, #tpu.memory_space<vmem>>)
      tpu.yield
    }) : () -> ()
    %add3A_7 = arith.constant 2048 : i32
    %add3A_8 = arith.addi %add3A_7, %add3A_4 : i32
    "tpu.region"() ({
      %run_scoped3A = tpu.sem_alloc : memref<!tpu.dma_semaphore, #tpu.memory_space<semaphore_mem>>
      %dma_start3A_63 = tpu.memref_slice %arg3[%add3A_8] : memref<4096xi32, #tpu.memory_space<hbm>> -> memref<32xi32, #tpu.memory_space<hbm>>
      %dma_start3A_64 = tpu.memref_slice %arg3[%add3A_8] : memref<4096xi32, #tpu.memory_space<hbm>> -> memref<32xi32, #tpu.memory_space<hbm>>
      tpu.enqueue_dma source(%dma_start3A_64 : memref<32xi32, #tpu.memory_space<hbm>>) target(%arg12 : memref<32xi32, #tpu.memory_space<vmem>>) target_semaphore(%run_scoped3A : memref<!tpu.dma_semaphore, #tpu.memory_space<semaphore_mem>>)
      %dma_wait3A_65 = tpu.memref_slice %arg3[%add3A_8] : memref<4096xi32, #tpu.memory_space<hbm>> -> memref<32xi32, #tpu.memory_space<hbm>>
      %dma_wait3A_66 = tpu.memref_slice %arg3[%add3A_8] : memref<4096xi32, #tpu.memory_space<hbm>> -> memref<32xi32, #tpu.memory_space<hbm>>
      tpu.wait_dma2 semaphore(%run_scoped3A : memref<!tpu.dma_semaphore, #tpu.memory_space<semaphore_mem>>) src(%dma_wait3A_66 : memref<32xi32, #tpu.memory_space<hbm>>) dst(%arg12 : memref<32xi32, #tpu.memory_space<vmem>>)
      tpu.yield
    }) : () -> ()
    %dma_start3A = arith.constant 0 : i32
    %dma_start3A_9 = arith.constant 0 : i32
    %dma_start3A_10 = tpu.memref_slice %arg2[%dma_start3A, %dma_start3A_9] : memref<8192x1024xf32, #tpu.memory_space<hbm>> -> memref<8192x1024xf32, #tpu.memory_space<hbm>>
    tpu.enqueue_indirect_dma source(%dma_start3A_10 : memref<8192x1024xf32, #tpu.memory_space<hbm>>) target(%arg6 : memref<32x1024xf32, #tpu.memory_space<vmem>>) offsets(%arg9 : memref<32xi32, #tpu.memory_space<vmem>>) semaphore(%arg13 : memref<!tpu.dma_semaphore, #tpu.memory_space<semaphore_mem>>)
    %dma_start3A_11 = arith.constant 0 : i32
    %dma_start3A_12 = arith.constant 0 : i32
    %dma_start3A_13 = tpu.memref_slice %arg2[%dma_start3A_11, %dma_start3A_12] : memref<8192x1024xf32, #tpu.memory_space<hbm>> -> memref<8192x1024xf32, #tpu.memory_space<hbm>>
    tpu.enqueue_indirect_dma source(%dma_start3A_13 : memref<8192x1024xf32, #tpu.memory_space<hbm>>) target(%arg7 : memref<32x1024xf32, #tpu.memory_space<vmem>>) offsets(%arg10 : memref<32xi32, #tpu.memory_space<vmem>>) semaphore(%arg14 : memref<!tpu.dma_semaphore, #tpu.memory_space<semaphore_mem>>)
    %dma_wait3A = arith.constant 0 : i32
    %dma_wait3A_14 = arith.constant 0 : i32
    %dma_wait3A_15 = tpu.memref_slice %arg2[%dma_wait3A, %dma_wait3A_14] : memref<8192x1024xf32, #tpu.memory_space<hbm>> -> memref<8192x1024xf32, #tpu.memory_space<hbm>>
    tpu.wait_indirect_dma semaphore(%arg13 : memref<!tpu.dma_semaphore, #tpu.memory_space<semaphore_mem>>) src(%dma_wait3A_15 : memref<8192x1024xf32, #tpu.memory_space<hbm>>) dst(%arg6 : memref<32x1024xf32, #tpu.memory_space<vmem>>)
    %dma_start3A_16 = arith.constant 0 : i32
    %dma_start3A_17 = tpu.memref_slice %arg4[%mul3A_2, %dma_start3A_16] : memref<2048x1024xf32, #tpu.memory_space<hbm>> -> memref<32x1024xf32, #tpu.memory_space<hbm>>
    %dma_start3A_18 = arith.constant 0 : i32
    %dma_start3A_19 = tpu.memref_slice %arg4[%mul3A_2, %dma_start3A_18] : memref<2048x1024xf32, #tpu.memory_space<hbm>> -> memref<32x1024xf32, #tpu.memory_space<hbm>>
    tpu.enqueue_dma source(%arg6 : memref<32x1024xf32, #tpu.memory_space<vmem>>) target(%dma_start3A_19 : memref<32x1024xf32, #tpu.memory_space<hbm>>) target_semaphore(%arg16 : memref<!tpu.dma_semaphore, #tpu.memory_space<semaphore_mem>>)
    %dma_start3A_20 = arith.constant 0 : i32
    %dma_start3A_21 = arith.constant 0 : i32
    %dma_start3A_22 = tpu.memref_slice %arg2[%dma_start3A_20, %dma_start3A_21] : memref<8192x1024xf32, #tpu.memory_space<hbm>> -> memref<8192x1024xf32, #tpu.memory_space<hbm>>
    tpu.enqueue_indirect_dma source(%dma_start3A_22 : memref<8192x1024xf32, #tpu.memory_space<hbm>>) target(%arg8 : memref<32x1024xf32, #tpu.memory_space<vmem>>) offsets(%arg11 : memref<32xi32, #tpu.memory_space<vmem>>) semaphore(%arg15 : memref<!tpu.dma_semaphore, #tpu.memory_space<semaphore_mem>>)
    %dma_wait3A_23 = arith.constant 0 : i32
    %dma_wait3A_24 = arith.constant 0 : i32
    %dma_wait3A_25 = tpu.memref_slice %arg2[%dma_wait3A_23, %dma_wait3A_24] : memref<8192x1024xf32, #tpu.memory_space<hbm>> -> memref<8192x1024xf32, #tpu.memory_space<hbm>>
    tpu.wait_indirect_dma semaphore(%arg14 : memref<!tpu.dma_semaphore, #tpu.memory_space<semaphore_mem>>) src(%dma_wait3A_25 : memref<8192x1024xf32, #tpu.memory_space<hbm>>) dst(%arg7 : memref<32x1024xf32, #tpu.memory_space<vmem>>)
    %dma_start3A_26 = arith.constant 0 : i32
    %dma_start3A_27 = tpu.memref_slice %arg5[%mul3A_2, %dma_start3A_26] : memref<2048x1024xf32, #tpu.memory_space<hbm>> -> memref<32x1024xf32, #tpu.memory_space<hbm>>
    %dma_start3A_28 = arith.constant 0 : i32
    %dma_start3A_29 = tpu.memref_slice %arg5[%mul3A_2, %dma_start3A_28] : memref<2048x1024xf32, #tpu.memory_space<hbm>> -> memref<32x1024xf32, #tpu.memory_space<hbm>>
    tpu.enqueue_dma source(%arg7 : memref<32x1024xf32, #tpu.memory_space<vmem>>) target(%dma_start3A_29 : memref<32x1024xf32, #tpu.memory_space<hbm>>) target_semaphore(%arg17 : memref<!tpu.dma_semaphore, #tpu.memory_space<semaphore_mem>>)
    %dma_wait3A_30 = arith.constant 0 : i32
    %dma_wait3A_31 = tpu.memref_slice %arg4[%mul3A_2, %dma_wait3A_30] : memref<2048x1024xf32, #tpu.memory_space<hbm>> -> memref<32x1024xf32, #tpu.memory_space<hbm>>
    %dma_wait3A_32 = arith.constant 0 : i32
    %dma_wait3A_33 = tpu.memref_slice %arg4[%mul3A_2, %dma_wait3A_32] : memref<2048x1024xf32, #tpu.memory_space<hbm>> -> memref<32x1024xf32, #tpu.memory_space<hbm>>
    tpu.wait_dma2 semaphore(%arg16 : memref<!tpu.dma_semaphore, #tpu.memory_space<semaphore_mem>>) src(%arg6 : memref<32x1024xf32, #tpu.memory_space<vmem>>) dst(%dma_wait3A_33 : memref<32x1024xf32, #tpu.memory_space<hbm>>)
    %dma_start3A_34 = arith.constant 0 : i32
    %dma_start3A_35 = arith.constant 0 : i32
    %dma_start3A_36 = tpu.memref_slice %arg2[%dma_start3A_34, %dma_start3A_35] : memref<8192x1024xf32, #tpu.memory_space<hbm>> -> memref<8192x1024xf32, #tpu.memory_space<hbm>>
    tpu.enqueue_indirect_dma source(%dma_start3A_36 : memref<8192x1024xf32, #tpu.memory_space<hbm>>) target(%arg6 : memref<32x1024xf32, #tpu.memory_space<vmem>>) offsets(%arg12 : memref<32xi32, #tpu.memory_space<vmem>>) semaphore(%arg13 : memref<!tpu.dma_semaphore, #tpu.memory_space<semaphore_mem>>)
    %dma_wait3A_37 = arith.constant 0 : i32
    %dma_wait3A_38 = arith.constant 0 : i32
    %dma_wait3A_39 = tpu.memref_slice %arg2[%dma_wait3A_37, %dma_wait3A_38] : memref<8192x1024xf32, #tpu.memory_space<hbm>> -> memref<8192x1024xf32, #tpu.memory_space<hbm>>
    tpu.wait_indirect_dma semaphore(%arg15 : memref<!tpu.dma_semaphore, #tpu.memory_space<semaphore_mem>>) src(%dma_wait3A_39 : memref<8192x1024xf32, #tpu.memory_space<hbm>>) dst(%arg8 : memref<32x1024xf32, #tpu.memory_space<vmem>>)
    %dma_start3A_40 = arith.constant 0 : i32
    %dma_start3A_41 = tpu.memref_slice %arg4[%add3A_4, %dma_start3A_40] : memref<2048x1024xf32, #tpu.memory_space<hbm>> -> memref<32x1024xf32, #tpu.memory_space<hbm>>
    %dma_start3A_42 = arith.constant 0 : i32
    %dma_start3A_43 = tpu.memref_slice %arg4[%add3A_4, %dma_start3A_42] : memref<2048x1024xf32, #tpu.memory_space<hbm>> -> memref<32x1024xf32, #tpu.memory_space<hbm>>
    tpu.enqueue_dma source(%arg8 : memref<32x1024xf32, #tpu.memory_space<vmem>>) target(%dma_start3A_43 : memref<32x1024xf32, #tpu.memory_space<hbm>>) target_semaphore(%arg18 : memref<!tpu.dma_semaphore, #tpu.memory_space<semaphore_mem>>)
    %dma_wait3A_44 = arith.constant 0 : i32
    %dma_wait3A_45 = arith.constant 0 : i32
    %dma_wait3A_46 = tpu.memref_slice %arg2[%dma_wait3A_44, %dma_wait3A_45] : memref<8192x1024xf32, #tpu.memory_space<hbm>> -> memref<8192x1024xf32, #tpu.memory_space<hbm>>
    tpu.wait_indirect_dma semaphore(%arg13 : memref<!tpu.dma_semaphore, #tpu.memory_space<semaphore_mem>>) src(%dma_wait3A_46 : memref<8192x1024xf32, #tpu.memory_space<hbm>>) dst(%arg6 : memref<32x1024xf32, #tpu.memory_space<vmem>>)
    %dma_start3A_47 = arith.constant 0 : i32
    %dma_start3A_48 = tpu.memref_slice %arg5[%add3A_4, %dma_start3A_47] : memref<2048x1024xf32, #tpu.memory_space<hbm>> -> memref<32x1024xf32, #tpu.memory_space<hbm>>
    %dma_start3A_49 = arith.constant 0 : i32
    %dma_start3A_50 = tpu.memref_slice %arg5[%add3A_4, %dma_start3A_49] : memref<2048x1024xf32, #tpu.memory_space<hbm>> -> memref<32x1024xf32, #tpu.memory_space<hbm>>
    tpu.enqueue_dma source(%arg6 : memref<32x1024xf32, #tpu.memory_space<vmem>>) target(%dma_start3A_50 : memref<32x1024xf32, #tpu.memory_space<hbm>>) target_semaphore(%arg16 : memref<!tpu.dma_semaphore, #tpu.memory_space<semaphore_mem>>)
    %dma_wait3A_51 = arith.constant 0 : i32
    %dma_wait3A_52 = tpu.memref_slice %arg5[%mul3A_2, %dma_wait3A_51] : memref<2048x1024xf32, #tpu.memory_space<hbm>> -> memref<32x1024xf32, #tpu.memory_space<hbm>>
    %dma_wait3A_53 = arith.constant 0 : i32
    %dma_wait3A_54 = tpu.memref_slice %arg5[%mul3A_2, %dma_wait3A_53] : memref<2048x1024xf32, #tpu.memory_space<hbm>> -> memref<32x1024xf32, #tpu.memory_space<hbm>>
    tpu.wait_dma2 semaphore(%arg17 : memref<!tpu.dma_semaphore, #tpu.memory_space<semaphore_mem>>) src(%arg7 : memref<32x1024xf32, #tpu.memory_space<vmem>>) dst(%dma_wait3A_54 : memref<32x1024xf32, #tpu.memory_space<hbm>>)
    %dma_wait3A_55 = arith.constant 0 : i32
    %dma_wait3A_56 = tpu.memref_slice %arg4[%add3A_4, %dma_wait3A_55] : memref<2048x1024xf32, #tpu.memory_space<hbm>> -> memref<32x1024xf32, #tpu.memory_space<hbm>>
    %dma_wait3A_57 = arith.constant 0 : i32
    %dma_wait3A_58 = tpu.memref_slice %arg4[%add3A_4, %dma_wait3A_57] : memref<2048x1024xf32, #tpu.memory_space<hbm>> -> memref<32x1024xf32, #tpu.memory_space<hbm>>
    tpu.wait_dma2 semaphore(%arg18 : memref<!tpu.dma_semaphore, #tpu.memory_space<semaphore_mem>>) src(%arg8 : memref<32x1024xf32, #tpu.memory_space<vmem>>) dst(%dma_wait3A_58 : memref<32x1024xf32, #tpu.memory_space<hbm>>)
    %dma_wait3A_59 = arith.constant 0 : i32
    %dma_wait3A_60 = tpu.memref_slice %arg5[%add3A_4, %dma_wait3A_59] : memref<2048x1024xf32, #tpu.memory_space<hbm>> -> memref<32x1024xf32, #tpu.memory_space<hbm>>
    %dma_wait3A_61 = arith.constant 0 : i32
    %dma_wait3A_62 = tpu.memref_slice %arg5[%add3A_4, %dma_wait3A_61] : memref<2048x1024xf32, #tpu.memory_space<hbm>> -> memref<32x1024xf32, #tpu.memory_space<hbm>>
    tpu.wait_dma2 semaphore(%arg16 : memref<!tpu.dma_semaphore, #tpu.memory_space<semaphore_mem>>) src(%arg6 : memref<32x1024xf32, #tpu.memory_space<vmem>>) dst(%dma_wait3A_62 : memref<32x1024xf32, #tpu.memory_space<hbm>>)
    return
  }
}

#map = affine_map<(d0, d1) -> (0, 0)>
#map1 = affine_map<(d0, d1) -> (0)>
module attributes {stable_mosaic.version = 14 : i64} {
  func.func @_sc_scatter_body(%arg0: i32, %arg1: i32, %arg2: memref<2048x1024xf32, #tpu.memory_space<hbm>>, %arg3: memref<4096xi32, #tpu.memory_space<hbm>>, %arg4: memref<8192x1024xf32, #tpu.memory_space<hbm>>, %arg5: memref<32x1024xf32, #tpu.memory_space<vmem>>, %arg6: memref<32x1024xf32, #tpu.memory_space<vmem>>, %arg7: memref<32xi32, #tpu.memory_space<vmem>>, %arg8: memref<32xi32, #tpu.memory_space<vmem>>, %arg9: memref<32xi32, #tpu.memory_space<vmem>>, %arg10: memref<32xi32, #tpu.memory_space<vmem>>, %arg11: memref<!tpu.dma_semaphore, #tpu.memory_space<semaphore_mem>>, %arg12: memref<!tpu.dma_semaphore, #tpu.memory_space<semaphore_mem>>, %arg13: memref<!tpu.dma_semaphore, #tpu.memory_space<semaphore_mem>>) attributes {dimension_semantics = [#tpu.dimension_semantics<core_parallel>, #tpu.dimension_semantics<subcore_parallel>], iteration_bounds = array<i64: 2, 16>, scalar_prefetch = 0 : i64, scratch_operands = 9 : i64, tpu.core_type = #tpu.core_type<sc_vector_subcore>, window_params = [{transform_indices = #map}, {transform_indices = #map1}, {transform_indices = #map}]} {
    %mul3A = arith.constant 2 : i32
    %mul3A_0 = arith.muli %arg1, %mul3A : i32
    %add3A = arith.addi %mul3A_0, %arg0 : i32
    %mul3A_1 = arith.constant 64 : i32
    %mul3A_2 = arith.muli %add3A, %mul3A_1 : i32
    %add3A_3 = arith.constant 32 : i32
    %add3A_4 = arith.addi %mul3A_2, %add3A_3 : i32
    %dma_start3A = arith.constant 0 : i32
    %dma_start3A_5 = tpu.memref_slice %arg2[%mul3A_2, %dma_start3A] : memref<2048x1024xf32, #tpu.memory_space<hbm>> -> memref<32x1024xf32, #tpu.memory_space<hbm>>
    %dma_start3A_6 = arith.constant 0 : i32
    %dma_start3A_7 = tpu.memref_slice %arg2[%mul3A_2, %dma_start3A_6] : memref<2048x1024xf32, #tpu.memory_space<hbm>> -> memref<32x1024xf32, #tpu.memory_space<hbm>>
    tpu.enqueue_dma source(%dma_start3A_7 : memref<32x1024xf32, #tpu.memory_space<hbm>>) target(%arg5 : memref<32x1024xf32, #tpu.memory_space<vmem>>) target_semaphore(%arg11 : memref<!tpu.dma_semaphore, #tpu.memory_space<semaphore_mem>>)
    %dma_start3A_8 = arith.constant 0 : i32
    %dma_start3A_9 = tpu.memref_slice %arg2[%add3A_4, %dma_start3A_8] : memref<2048x1024xf32, #tpu.memory_space<hbm>> -> memref<32x1024xf32, #tpu.memory_space<hbm>>
    %dma_start3A_10 = arith.constant 0 : i32
    %dma_start3A_11 = tpu.memref_slice %arg2[%add3A_4, %dma_start3A_10] : memref<2048x1024xf32, #tpu.memory_space<hbm>> -> memref<32x1024xf32, #tpu.memory_space<hbm>>
    tpu.enqueue_dma source(%dma_start3A_11 : memref<32x1024xf32, #tpu.memory_space<hbm>>) target(%arg6 : memref<32x1024xf32, #tpu.memory_space<vmem>>) target_semaphore(%arg12 : memref<!tpu.dma_semaphore, #tpu.memory_space<semaphore_mem>>)
    "tpu.region"() ({
      %run_scoped3A = tpu.sem_alloc : memref<!tpu.dma_semaphore, #tpu.memory_space<semaphore_mem>>
      %dma_start3A_47 = tpu.memref_slice %arg3[%mul3A_2] : memref<4096xi32, #tpu.memory_space<hbm>> -> memref<32xi32, #tpu.memory_space<hbm>>
      %dma_start3A_48 = tpu.memref_slice %arg3[%mul3A_2] : memref<4096xi32, #tpu.memory_space<hbm>> -> memref<32xi32, #tpu.memory_space<hbm>>
      tpu.enqueue_dma source(%dma_start3A_48 : memref<32xi32, #tpu.memory_space<hbm>>) target(%arg7 : memref<32xi32, #tpu.memory_space<vmem>>) target_semaphore(%run_scoped3A : memref<!tpu.dma_semaphore, #tpu.memory_space<semaphore_mem>>)
      %dma_wait3A_49 = tpu.memref_slice %arg3[%mul3A_2] : memref<4096xi32, #tpu.memory_space<hbm>> -> memref<32xi32, #tpu.memory_space<hbm>>
      %dma_wait3A_50 = tpu.memref_slice %arg3[%mul3A_2] : memref<4096xi32, #tpu.memory_space<hbm>> -> memref<32xi32, #tpu.memory_space<hbm>>
      tpu.wait_dma2 semaphore(%run_scoped3A : memref<!tpu.dma_semaphore, #tpu.memory_space<semaphore_mem>>) src(%dma_wait3A_50 : memref<32xi32, #tpu.memory_space<hbm>>) dst(%arg7 : memref<32xi32, #tpu.memory_space<vmem>>)
      tpu.yield
    }) : () -> ()
    %add3A_12 = arith.constant 2048 : i32
    %add3A_13 = arith.addi %add3A_12, %mul3A_2 : i32
    "tpu.region"() ({
      %run_scoped3A = tpu.sem_alloc : memref<!tpu.dma_semaphore, #tpu.memory_space<semaphore_mem>>
      %dma_start3A_47 = tpu.memref_slice %arg3[%add3A_13] : memref<4096xi32, #tpu.memory_space<hbm>> -> memref<32xi32, #tpu.memory_space<hbm>>
      %dma_start3A_48 = tpu.memref_slice %arg3[%add3A_13] : memref<4096xi32, #tpu.memory_space<hbm>> -> memref<32xi32, #tpu.memory_space<hbm>>
      tpu.enqueue_dma source(%dma_start3A_48 : memref<32xi32, #tpu.memory_space<hbm>>) target(%arg8 : memref<32xi32, #tpu.memory_space<vmem>>) target_semaphore(%run_scoped3A : memref<!tpu.dma_semaphore, #tpu.memory_space<semaphore_mem>>)
      %dma_wait3A_49 = tpu.memref_slice %arg3[%add3A_13] : memref<4096xi32, #tpu.memory_space<hbm>> -> memref<32xi32, #tpu.memory_space<hbm>>
      %dma_wait3A_50 = tpu.memref_slice %arg3[%add3A_13] : memref<4096xi32, #tpu.memory_space<hbm>> -> memref<32xi32, #tpu.memory_space<hbm>>
      tpu.wait_dma2 semaphore(%run_scoped3A : memref<!tpu.dma_semaphore, #tpu.memory_space<semaphore_mem>>) src(%dma_wait3A_50 : memref<32xi32, #tpu.memory_space<hbm>>) dst(%arg8 : memref<32xi32, #tpu.memory_space<vmem>>)
      tpu.yield
    }) : () -> ()
    "tpu.region"() ({
      %run_scoped3A = tpu.sem_alloc : memref<!tpu.dma_semaphore, #tpu.memory_space<semaphore_mem>>
      %dma_start3A_47 = tpu.memref_slice %arg3[%add3A_4] : memref<4096xi32, #tpu.memory_space<hbm>> -> memref<32xi32, #tpu.memory_space<hbm>>
      %dma_start3A_48 = tpu.memref_slice %arg3[%add3A_4] : memref<4096xi32, #tpu.memory_space<hbm>> -> memref<32xi32, #tpu.memory_space<hbm>>
      tpu.enqueue_dma source(%dma_start3A_48 : memref<32xi32, #tpu.memory_space<hbm>>) target(%arg9 : memref<32xi32, #tpu.memory_space<vmem>>) target_semaphore(%run_scoped3A : memref<!tpu.dma_semaphore, #tpu.memory_space<semaphore_mem>>)
      %dma_wait3A_49 = tpu.memref_slice %arg3[%add3A_4] : memref<4096xi32, #tpu.memory_space<hbm>> -> memref<32xi32, #tpu.memory_space<hbm>>
      %dma_wait3A_50 = tpu.memref_slice %arg3[%add3A_4] : memref<4096xi32, #tpu.memory_space<hbm>> -> memref<32xi32, #tpu.memory_space<hbm>>
      tpu.wait_dma2 semaphore(%run_scoped3A : memref<!tpu.dma_semaphore, #tpu.memory_space<semaphore_mem>>) src(%dma_wait3A_50 : memref<32xi32, #tpu.memory_space<hbm>>) dst(%arg9 : memref<32xi32, #tpu.memory_space<vmem>>)
      tpu.yield
    }) : () -> ()
    %add3A_14 = arith.constant 2048 : i32
    %add3A_15 = arith.addi %add3A_14, %add3A_4 : i32
    "tpu.region"() ({
      %run_scoped3A = tpu.sem_alloc : memref<!tpu.dma_semaphore, #tpu.memory_space<semaphore_mem>>
      %dma_start3A_47 = tpu.memref_slice %arg3[%add3A_15] : memref<4096xi32, #tpu.memory_space<hbm>> -> memref<32xi32, #tpu.memory_space<hbm>>
      %dma_start3A_48 = tpu.memref_slice %arg3[%add3A_15] : memref<4096xi32, #tpu.memory_space<hbm>> -> memref<32xi32, #tpu.memory_space<hbm>>
      tpu.enqueue_dma source(%dma_start3A_48 : memref<32xi32, #tpu.memory_space<hbm>>) target(%arg10 : memref<32xi32, #tpu.memory_space<vmem>>) target_semaphore(%run_scoped3A : memref<!tpu.dma_semaphore, #tpu.memory_space<semaphore_mem>>)
      %dma_wait3A_49 = tpu.memref_slice %arg3[%add3A_15] : memref<4096xi32, #tpu.memory_space<hbm>> -> memref<32xi32, #tpu.memory_space<hbm>>
      %dma_wait3A_50 = tpu.memref_slice %arg3[%add3A_15] : memref<4096xi32, #tpu.memory_space<hbm>> -> memref<32xi32, #tpu.memory_space<hbm>>
      tpu.wait_dma2 semaphore(%run_scoped3A : memref<!tpu.dma_semaphore, #tpu.memory_space<semaphore_mem>>) src(%dma_wait3A_50 : memref<32xi32, #tpu.memory_space<hbm>>) dst(%arg10 : memref<32xi32, #tpu.memory_space<vmem>>)
      tpu.yield
    }) : () -> ()
    %dma_wait3A = arith.constant 0 : i32
    %dma_wait3A_16 = tpu.memref_slice %arg2[%mul3A_2, %dma_wait3A] : memref<2048x1024xf32, #tpu.memory_space<hbm>> -> memref<32x1024xf32, #tpu.memory_space<hbm>>
    %dma_wait3A_17 = arith.constant 0 : i32
    %dma_wait3A_18 = tpu.memref_slice %arg2[%mul3A_2, %dma_wait3A_17] : memref<2048x1024xf32, #tpu.memory_space<hbm>> -> memref<32x1024xf32, #tpu.memory_space<hbm>>
    tpu.wait_dma2 semaphore(%arg11 : memref<!tpu.dma_semaphore, #tpu.memory_space<semaphore_mem>>) src(%dma_wait3A_18 : memref<32x1024xf32, #tpu.memory_space<hbm>>) dst(%arg5 : memref<32x1024xf32, #tpu.memory_space<vmem>>)
    %dma_start3A_19 = arith.constant 0 : i32
    %dma_start3A_20 = arith.constant 0 : i32
    %dma_start3A_21 = tpu.memref_slice %arg4[%dma_start3A_19, %dma_start3A_20] : memref<8192x1024xf32, #tpu.memory_space<hbm>> -> memref<8192x1024xf32, #tpu.memory_space<hbm>>
    tpu.enqueue_indirect_dma source(%arg5 : memref<32x1024xf32, #tpu.memory_space<vmem>>) target(%dma_start3A_21 : memref<8192x1024xf32, #tpu.memory_space<hbm>>) offsets(%arg7 : memref<32xi32, #tpu.memory_space<vmem>>) semaphore(%arg13 : memref<!tpu.dma_semaphore, #tpu.memory_space<semaphore_mem>>)
    %dma_start3A_22 = arith.constant 0 : i32
    %dma_start3A_23 = arith.constant 0 : i32
    %dma_start3A_24 = tpu.memref_slice %arg4[%dma_start3A_22, %dma_start3A_23] : memref<8192x1024xf32, #tpu.memory_space<hbm>> -> memref<8192x1024xf32, #tpu.memory_space<hbm>>
    tpu.enqueue_indirect_dma source(%arg5 : memref<32x1024xf32, #tpu.memory_space<vmem>>) target(%dma_start3A_24 : memref<8192x1024xf32, #tpu.memory_space<hbm>>) offsets(%arg8 : memref<32xi32, #tpu.memory_space<vmem>>) semaphore(%arg13 : memref<!tpu.dma_semaphore, #tpu.memory_space<semaphore_mem>>)
    %dma_wait3A_25 = arith.constant 0 : i32
    %dma_wait3A_26 = tpu.memref_slice %arg2[%add3A_4, %dma_wait3A_25] : memref<2048x1024xf32, #tpu.memory_space<hbm>> -> memref<32x1024xf32, #tpu.memory_space<hbm>>
    %dma_wait3A_27 = arith.constant 0 : i32
    %dma_wait3A_28 = tpu.memref_slice %arg2[%add3A_4, %dma_wait3A_27] : memref<2048x1024xf32, #tpu.memory_space<hbm>> -> memref<32x1024xf32, #tpu.memory_space<hbm>>
    tpu.wait_dma2 semaphore(%arg12 : memref<!tpu.dma_semaphore, #tpu.memory_space<semaphore_mem>>) src(%dma_wait3A_28 : memref<32x1024xf32, #tpu.memory_space<hbm>>) dst(%arg6 : memref<32x1024xf32, #tpu.memory_space<vmem>>)
    %dma_start3A_29 = arith.constant 0 : i32
    %dma_start3A_30 = arith.constant 0 : i32
    %dma_start3A_31 = tpu.memref_slice %arg4[%dma_start3A_29, %dma_start3A_30] : memref<8192x1024xf32, #tpu.memory_space<hbm>> -> memref<8192x1024xf32, #tpu.memory_space<hbm>>
    tpu.enqueue_indirect_dma source(%arg6 : memref<32x1024xf32, #tpu.memory_space<vmem>>) target(%dma_start3A_31 : memref<8192x1024xf32, #tpu.memory_space<hbm>>) offsets(%arg9 : memref<32xi32, #tpu.memory_space<vmem>>) semaphore(%arg13 : memref<!tpu.dma_semaphore, #tpu.memory_space<semaphore_mem>>)
    %dma_start3A_32 = arith.constant 0 : i32
    %dma_start3A_33 = arith.constant 0 : i32
    %dma_start3A_34 = tpu.memref_slice %arg4[%dma_start3A_32, %dma_start3A_33] : memref<8192x1024xf32, #tpu.memory_space<hbm>> -> memref<8192x1024xf32, #tpu.memory_space<hbm>>
    tpu.enqueue_indirect_dma source(%arg6 : memref<32x1024xf32, #tpu.memory_space<vmem>>) target(%dma_start3A_34 : memref<8192x1024xf32, #tpu.memory_space<hbm>>) offsets(%arg10 : memref<32xi32, #tpu.memory_space<vmem>>) semaphore(%arg13 : memref<!tpu.dma_semaphore, #tpu.memory_space<semaphore_mem>>)
    %dma_wait3A_35 = arith.constant 0 : i32
    %dma_wait3A_36 = arith.constant 0 : i32
    %dma_wait3A_37 = tpu.memref_slice %arg4[%dma_wait3A_35, %dma_wait3A_36] : memref<8192x1024xf32, #tpu.memory_space<hbm>> -> memref<8192x1024xf32, #tpu.memory_space<hbm>>
    tpu.wait_indirect_dma semaphore(%arg13 : memref<!tpu.dma_semaphore, #tpu.memory_space<semaphore_mem>>) src(%arg5 : memref<32x1024xf32, #tpu.memory_space<vmem>>) dst(%dma_wait3A_37 : memref<8192x1024xf32, #tpu.memory_space<hbm>>)
    %dma_wait3A_38 = arith.constant 0 : i32
    %dma_wait3A_39 = arith.constant 0 : i32
    %dma_wait3A_40 = tpu.memref_slice %arg4[%dma_wait3A_38, %dma_wait3A_39] : memref<8192x1024xf32, #tpu.memory_space<hbm>> -> memref<8192x1024xf32, #tpu.memory_space<hbm>>
    tpu.wait_indirect_dma semaphore(%arg13 : memref<!tpu.dma_semaphore, #tpu.memory_space<semaphore_mem>>) src(%arg5 : memref<32x1024xf32, #tpu.memory_space<vmem>>) dst(%dma_wait3A_40 : memref<8192x1024xf32, #tpu.memory_space<hbm>>)
    %dma_wait3A_41 = arith.constant 0 : i32
    %dma_wait3A_42 = arith.constant 0 : i32
    %dma_wait3A_43 = tpu.memref_slice %arg4[%dma_wait3A_41, %dma_wait3A_42] : memref<8192x1024xf32, #tpu.memory_space<hbm>> -> memref<8192x1024xf32, #tpu.memory_space<hbm>>
    tpu.wait_indirect_dma semaphore(%arg13 : memref<!tpu.dma_semaphore, #tpu.memory_space<semaphore_mem>>) src(%arg6 : memref<32x1024xf32, #tpu.memory_space<vmem>>) dst(%dma_wait3A_43 : memref<8192x1024xf32, #tpu.memory_space<hbm>>)
    %dma_wait3A_44 = arith.constant 0 : i32
    %dma_wait3A_45 = arith.constant 0 : i32
    %dma_wait3A_46 = tpu.memref_slice %arg4[%dma_wait3A_44, %dma_wait3A_45] : memref<8192x1024xf32, #tpu.memory_space<hbm>> -> memref<8192x1024xf32, #tpu.memory_space<hbm>>
    tpu.wait_indirect_dma semaphore(%arg13 : memref<!tpu.dma_semaphore, #tpu.memory_space<semaphore_mem>>) src(%arg6 : memref<32x1024xf32, #tpu.memory_space<vmem>>) dst(%dma_wait3A_46 : memref<8192x1024xf32, #tpu.memory_space<hbm>>)
    return
  }
}

module attributes {stable_mosaic.version = 14 : i64} {
  func.func @_router_body(%arg0: memref<2048x1024xf32, #tpu.memory_space<vmem>>, %arg1: memref<1024x128xf32, #tpu.memory_space<vmem>>, %arg2: memref<4096x1xi32, #tpu.memory_space<vmem>>, %arg3: memref<2048x16xf32, #tpu.memory_space<vmem>>, %arg4: memref<2048x16xf32, #tpu.memory_space<vmem>>, %arg5: memref<8x128xi32, #tpu.memory_space<vmem>>, %arg6: memref<1x1xf32, #tpu.memory_space<smem>>) attributes {dimension_semantics = [], scalar_prefetch = 0 : i64, scratch_operands = 0 : i64, tpu.core_type = #tpu.core_type<tc>} {
    %get3A = arith.constant 0 : index
    %get3A_0 = arith.constant 0 : index
    %get3A_1 = vector.load %arg0[%get3A, %get3A_0] : memref<2048x1024xf32, #tpu.memory_space<vmem>>, vector<2048x1024xf32>
    %get3A_2 = arith.constant 0 : index
    %get3A_3 = arith.constant 0 : index
    %get3A_4 = vector.load %arg1[%get3A_2, %get3A_3] : memref<1024x128xf32, #tpu.memory_space<vmem>>, vector<1024x128xf32>
    %dot_general3A = arith.constant dense<0.000000e+00> : vector<2048x128xf32>
    %dot_general3A_5 = tpu.matmul %get3A_1, %get3A_4, %dot_general3A {dimension_numbers = #tpu.dot_dimension_numbers<[1], [0], [0], [1], [0, 0, 1, 1], [], []>, transpose_lhs_hint = false} : vector<2048x1024xf32>, vector<1024x128xf32>, vector<2048x128xf32> -> vector<2048x128xf32>
    %iota3A = tpu.iota {dimensions = array<i32: 1>} : vector<2048x128xi32>
    %lt3A = arith.constant 8 : i32
    %lt3A_6 = vector.broadcast %lt3A : i32 to vector<2048x128xi32>
    %lt3A_7 = arith.cmpi slt, %iota3A, %lt3A_6 : vector<2048x128xi32>
    %jit3A = arith.constant -1.000000e+30 : f32
    %broadcast_in_dim3A = vector.broadcast %jit3A : f32 to vector<2048x128xf32>
    %select_n3A = arith.select %lt3A_7, %dot_general3A_5, %broadcast_in_dim3A : vector<2048x128xi1>, vector<2048x128xf32>
    %reduce_max3A = arith.constant dense<0xFF800000> : vector<2048xf32>
    %reduce_max3A_8 = vector.multi_reduction <maximumf>, %select_n3A, %reduce_max3A [1] : vector<2048x128xf32> to vector<2048xf32>
    %broadcast_in_dim3A_9 = vector.shape_cast %reduce_max3A_8 : vector<2048xf32> to vector<2048x1xf32>
    %sub3A = vector.broadcast %broadcast_in_dim3A_9 : vector<2048x1xf32> to vector<2048x128xf32>
    %sub3A_10 = arith.subf %select_n3A, %sub3A : vector<2048x128xf32>
    %exp3A = math.exp %sub3A_10 : vector<2048x128xf32>
    %jit3A_11 = arith.constant 0.000000e+00 : f32
    %broadcast_in_dim3A_12 = vector.broadcast %jit3A_11 : f32 to vector<2048x128xf32>
    %select_n3A_13 = arith.select %lt3A_7, %exp3A, %broadcast_in_dim3A_12 : vector<2048x128xi1>, vector<2048x128xf32>
    %reduce_sum3A = arith.constant dense<0.000000e+00> : vector<2048xf32>
    %reduce_sum3A_14 = vector.multi_reduction <add>, %select_n3A_13, %reduce_sum3A [1] : vector<2048x128xf32> to vector<2048xf32>
    %broadcast_in_dim3A_15 = vector.shape_cast %reduce_sum3A_14 : vector<2048xf32> to vector<2048x1xf32>
    %div3A = vector.broadcast %broadcast_in_dim3A_15 : vector<2048x1xf32> to vector<2048x128xf32>
    %div3A_16 = arith.divf %select_n3A_13, %div3A : vector<2048x128xf32>
    %eq3A = vector.broadcast %broadcast_in_dim3A_9 : vector<2048x1xf32> to vector<2048x128xf32>
    %eq3A_17 = arith.cmpf oeq, %select_n3A, %eq3A : vector<2048x128xf32>
    %jit3A_18 = arith.constant 127 : i32
    %broadcast_in_dim3A_19 = vector.broadcast %jit3A_18 : i32 to vector<2048x128xi32>
    %select_n3A_20 = arith.select %eq3A_17, %iota3A, %broadcast_in_dim3A_19 : vector<2048x128xi1>, vector<2048x128xi32>
    %reduce_min3A = arith.constant dense<2147483647> : vector<2048xi32>
    %reduce_min3A_21 = vector.multi_reduction <minsi>, %select_n3A_20, %reduce_min3A [1] : vector<2048x128xi32> to vector<2048xi32>
    %broadcast_in_dim3A_22 = vector.shape_cast %reduce_min3A_21 : vector<2048xi32> to vector<2048x1xi32>
    %eq3A_23 = vector.broadcast %broadcast_in_dim3A_22 : vector<2048x1xi32> to vector<2048x128xi32>
    %eq3A_24 = arith.cmpi eq, %iota3A, %eq3A_23 : vector<2048x128xi32>
    %jit3A_25 = arith.constant -1.000000e+30 : f32
    %broadcast_in_dim3A_26 = vector.broadcast %jit3A_25 : f32 to vector<2048x128xf32>
    %select_n3A_27 = arith.select %eq3A_24, %broadcast_in_dim3A_26, %select_n3A : vector<2048x128xi1>, vector<2048x128xf32>
    %reduce_max3A_28 = arith.constant dense<0xFF800000> : vector<2048xf32>
    %reduce_max3A_29 = vector.multi_reduction <maximumf>, %select_n3A_27, %reduce_max3A_28 [1] : vector<2048x128xf32> to vector<2048xf32>
    %broadcast_in_dim3A_30 = vector.shape_cast %reduce_max3A_29 : vector<2048xf32> to vector<2048x1xf32>
    %eq3A_31 = vector.broadcast %broadcast_in_dim3A_30 : vector<2048x1xf32> to vector<2048x128xf32>
    %eq3A_32 = arith.cmpf oeq, %select_n3A_27, %eq3A_31 : vector<2048x128xf32>
    %jit3A_33 = arith.constant 127 : i32
    %broadcast_in_dim3A_34 = vector.broadcast %jit3A_33 : i32 to vector<2048x128xi32>
    %select_n3A_35 = arith.select %eq3A_32, %iota3A, %broadcast_in_dim3A_34 : vector<2048x128xi1>, vector<2048x128xi32>
    %reduce_min3A_36 = arith.constant dense<2147483647> : vector<2048xi32>
    %reduce_min3A_37 = vector.multi_reduction <minsi>, %select_n3A_35, %reduce_min3A_36 [1] : vector<2048x128xi32> to vector<2048xi32>
    %broadcast_in_dim3A_38 = vector.shape_cast %reduce_min3A_37 : vector<2048xi32> to vector<2048x1xi32>
    %sub3A_39 = arith.subf %broadcast_in_dim3A_9, %broadcast_in_dim3A_9 : vector<2048x1xf32>
    %exp3A_40 = math.exp %sub3A_39 : vector<2048x1xf32>
    %sub3A_41 = arith.subf %broadcast_in_dim3A_30, %broadcast_in_dim3A_9 : vector<2048x1xf32>
    %exp3A_42 = math.exp %sub3A_41 : vector<2048x1xf32>
    %add3A = arith.addf %exp3A_40, %exp3A_42 : vector<2048x1xf32>
    %div3A_43 = arith.divf %exp3A_40, %add3A : vector<2048x1xf32>
    %broadcast_in_dim3A_44 = vector.shape_cast %div3A_43 : vector<2048x1xf32> to vector<2048x1xf32>
    %broadcast_in_dim3A_45 = vector.broadcast %broadcast_in_dim3A_44 : vector<2048x1xf32> to vector<2048x16xf32>
    %swap3A = arith.constant 0 : index
    %swap3A_46 = arith.constant 0 : index
    %swap3A_47 = vector.load %arg3[%swap3A, %swap3A_46] : memref<2048x16xf32, #tpu.memory_space<vmem>>, vector<2048x16xf32>
    tpu.vector_store %arg3[%swap3A, %swap3A_46], %broadcast_in_dim3A_45 {strides = array<i32>} : memref<2048x16xf32, #tpu.memory_space<vmem>>, vector<2048x16xf32>,
    %add3A_48 = arith.addf %exp3A_40, %exp3A_42 : vector<2048x1xf32>
    %div3A_49 = arith.divf %exp3A_42, %add3A_48 : vector<2048x1xf32>
    %broadcast_in_dim3A_50 = vector.shape_cast %div3A_49 : vector<2048x1xf32> to vector<2048x1xf32>
    %broadcast_in_dim3A_51 = vector.broadcast %broadcast_in_dim3A_50 : vector<2048x1xf32> to vector<2048x16xf32>
    %swap3A_52 = arith.constant 0 : index
    %swap3A_53 = arith.constant 0 : index
    %swap3A_54 = vector.load %arg4[%swap3A_52, %swap3A_53] : memref<2048x16xf32, #tpu.memory_space<vmem>>, vector<2048x16xf32>
    tpu.vector_store %arg4[%swap3A_52, %swap3A_53], %broadcast_in_dim3A_51 {strides = array<i32>} : memref<2048x16xf32, #tpu.memory_space<vmem>>, vector<2048x16xf32>,
    %eq3A_55 = vector.broadcast %broadcast_in_dim3A_22 : vector<2048x1xi32> to vector<2048x128xi32>
    %eq3A_56 = arith.cmpi eq, %iota3A, %eq3A_55 : vector<2048x128xi32>
    %convert_element_type3A = arith.extui %eq3A_56 : vector<2048x128xi1> to vector<2048x128xi32>
    %convert_element_type3A_57 = arith.sitofp %convert_element_type3A : vector<2048x128xi32> to vector<2048x128xf32>
    %eq3A_58 = vector.broadcast %broadcast_in_dim3A_38 : vector<2048x1xi32> to vector<2048x128xi32>
    %eq3A_59 = arith.cmpi eq, %iota3A, %eq3A_58 : vector<2048x128xi32>
    %convert_element_type3A_60 = arith.extui %eq3A_59 : vector<2048x128xi1> to vector<2048x128xi32>
    %convert_element_type3A_61 = arith.sitofp %convert_element_type3A_60 : vector<2048x128xi32> to vector<2048x128xf32>
    %add3A_62 = arith.addf %convert_element_type3A_57, %convert_element_type3A_61 : vector<2048x128xf32>
    %reduce_sum3A_63 = arith.constant dense<0.000000e+00> : vector<128xf32>
    %reduce_sum3A_64 = vector.multi_reduction <add>, %add3A_62, %reduce_sum3A_63 [0] : vector<2048x128xf32> to vector<128xf32>
    %reduce_sum3A_65 = arith.constant dense<0.000000e+00> : vector<128xf32>
    %reduce_sum3A_66 = vector.multi_reduction <add>, %div3A_16, %reduce_sum3A_65 [0] : vector<2048x128xf32> to vector<128xf32>
    %div3A_67 = arith.constant 4.096000e+03 : f32
    %div3A_68 = vector.broadcast %div3A_67 : f32 to vector<128xf32>
    %div3A_69 = arith.divf %reduce_sum3A_64, %div3A_68 : vector<128xf32>
    %div3A_70 = arith.constant 2.048000e+03 : f32
    %div3A_71 = vector.broadcast %div3A_70 : f32 to vector<128xf32>
    %div3A_72 = arith.divf %reduce_sum3A_66, %div3A_71 : vector<128xf32>
    %mul3A = arith.mulf %div3A_69, %div3A_72 : vector<128xf32>
    %reduce_sum3A_73 = vector.shape_cast %mul3A : vector<128xf32> to vector<1x128xf32>
    %reduce_sum3A_74 = arith.constant dense<0.000000e+00> : vector<1xf32>
    %reduce_sum3A_75 = vector.multi_reduction <add>, %reduce_sum3A_73, %reduce_sum3A_74 [1] : vector<1x128xf32> to vector<1xf32>
    %reduce_sum3A_76 = vector.shape_cast %reduce_sum3A_75 : vector<1xf32> to vector<1x1xf32>
    %reduce_sum3A_77 = vector.extract %reduce_sum3A_76[0, 0] : f32 from vector<1x1xf32>
    %mul3A_78 = arith.constant 8.000000e-02 : f32
    %mul3A_79 = arith.mulf %mul3A_78, %reduce_sum3A_77 : f32
    %swap3A_80 = arith.constant 0 : index
    %swap3A_81 = arith.constant 0 : index
    %swap3A_82 = memref.load %arg6[%swap3A_80, %swap3A_81] : memref<1x1xf32, #tpu.memory_space<smem>>
    memref.store %mul3A_79, %arg6[%swap3A_80, %swap3A_81] : memref<1x1xf32, #tpu.memory_space<smem>>
    %concatenate3A = tpu.concatenate %broadcast_in_dim3A_22, %broadcast_in_dim3A_38 in 0 : vector<2048x1xi32>, vector<2048x1xi32> -> vector<4096x1xi32>
    %iota3A_83 = tpu.iota {dimensions = array<i32: 1>} : vector<4096x128xi32>
    %eq3A_84 = vector.broadcast %concatenate3A : vector<4096x1xi32> to vector<4096x128xi32>
    %eq3A_85 = arith.cmpi eq, %iota3A_83, %eq3A_84 : vector<4096x128xi32>
    %convert_element_type3A_86 = arith.extui %eq3A_85 : vector<4096x128xi1> to vector<4096x128xi32>
    %convert_element_type3A_87 = arith.sitofp %convert_element_type3A_86 : vector<4096x128xi32> to vector<4096x128xf32>
    %iota3A_88 = tpu.iota {dimensions = array<i32: 0>} : vector<512x512xi32>
    %iota3A_89 = tpu.iota {dimensions = array<i32: 1>} : vector<512x512xi32>
    %gt3A = arith.cmpi sgt, %iota3A_88, %iota3A_89 : vector<512x512xi32>
    %convert_element_type3A_90 = arith.extui %gt3A : vector<512x512xi1> to vector<512x512xi32>
    %convert_element_type3A_91 = arith.sitofp %convert_element_type3A_90 : vector<512x512xi32> to vector<512x512xf32>
    %broadcast_in_dim3A_92 = arith.constant 0.000000e+00 : f32
    %broadcast_in_dim3A_93 = vector.broadcast %broadcast_in_dim3A_92 : f32 to vector<1x128xf32>
    %slice3A = vector.extract_strided_slice %convert_element_type3A_87 {offsets = [0, 0], sizes = [512, 128], strides = [1, 1]} : vector<4096x128xf32> to vector<512x128xf32>
    %dot_general3A_94 = arith.constant dense<0.000000e+00> : vector<512x128xf32>
    %dot_general3A_95 = tpu.matmul %convert_element_type3A_91, %slice3A, %dot_general3A_94 {dimension_numbers = #tpu.dot_dimension_numbers<[1], [0], [0], [1], [0, 0, 1, 1], [], []>, transpose_lhs_hint = false} : vector<512x512xf32>, vector<512x128xf32>, vector<512x128xf32> -> vector<512x128xf32>
    %add3A_96 = vector.broadcast %broadcast_in_dim3A_93 : vector<1x128xf32> to vector<512x128xf32>
    %add3A_97 = arith.addf %dot_general3A_95, %add3A_96 : vector<512x128xf32>
    %reduce_sum3A_98 = arith.constant dense<0.000000e+00> : vector<128xf32>
    %reduce_sum3A_99 = vector.multi_reduction <add>, %slice3A, %reduce_sum3A_98 [0] : vector<512x128xf32> to vector<128xf32>
    %broadcast_in_dim3A_100 = vector.shape_cast %reduce_sum3A_99 : vector<128xf32> to vector<1x128xf32>
    %add3A_101 = arith.addf %broadcast_in_dim3A_93, %broadcast_in_dim3A_100 : vector<1x128xf32>
    %slice3A_102 = vector.extract_strided_slice %convert_element_type3A_87 {offsets = [512, 0], sizes = [512, 128], strides = [1, 1]} : vector<4096x128xf32> to vector<512x128xf32>
    %dot_general3A_103 = arith.constant dense<0.000000e+00> : vector<512x128xf32>
    %dot_general3A_104 = tpu.matmul %convert_element_type3A_91, %slice3A_102, %dot_general3A_103 {dimension_numbers = #tpu.dot_dimension_numbers<[1], [0], [0], [1], [0, 0, 1, 1], [], []>, transpose_lhs_hint = false} : vector<512x512xf32>, vector<512x128xf32>, vector<512x128xf32> -> vector<512x128xf32>
    %add3A_105 = vector.broadcast %add3A_101 : vector<1x128xf32> to vector<512x128xf32>
    %add3A_106 = arith.addf %dot_general3A_104, %add3A_105 : vector<512x128xf32>
    %reduce_sum3A_107 = arith.constant dense<0.000000e+00> : vector<128xf32>
    %reduce_sum3A_108 = vector.multi_reduction <add>, %slice3A_102, %reduce_sum3A_107 [0] : vector<512x128xf32> to vector<128xf32>
    %broadcast_in_dim3A_109 = vector.shape_cast %reduce_sum3A_108 : vector<128xf32> to vector<1x128xf32>
    %add3A_110 = arith.addf %add3A_101, %broadcast_in_dim3A_109 : vector<1x128xf32>
    %slice3A_111 = vector.extract_strided_slice %convert_element_type3A_87 {offsets = [1024, 0], sizes = [512, 128], strides = [1, 1]} : vector<4096x128xf32> to vector<512x128xf32>
    %dot_general3A_112 = arith.constant dense<0.000000e+00> : vector<512x128xf32>
    %dot_general3A_113 = tpu.matmul %convert_element_type3A_91, %slice3A_111, %dot_general3A_112 {dimension_numbers = #tpu.dot_dimension_numbers<[1], [0], [0], [1], [0, 0, 1, 1], [], []>, transpose_lhs_hint = false} : vector<512x512xf32>, vector<512x128xf32>, vector<512x128xf32> -> vector<512x128xf32>
    %add3A_114 = vector.broadcast %add3A_110 : vector<1x128xf32> to vector<512x128xf32>
    %add3A_115 = arith.addf %dot_general3A_113, %add3A_114 : vector<512x128xf32>
    %reduce_sum3A_116 = arith.constant dense<0.000000e+00> : vector<128xf32>
    %reduce_sum3A_117 = vector.multi_reduction <add>, %slice3A_111, %reduce_sum3A_116 [0] : vector<512x128xf32> to vector<128xf32>
    %broadcast_in_dim3A_118 = vector.shape_cast %reduce_sum3A_117 : vector<128xf32> to vector<1x128xf32>
    %add3A_119 = arith.addf %add3A_110, %broadcast_in_dim3A_118 : vector<1x128xf32>
    %slice3A_120 = vector.extract_strided_slice %convert_element_type3A_87 {offsets = [1536, 0], sizes = [512, 128], strides = [1, 1]} : vector<4096x128xf32> to vector<512x128xf32>
    %dot_general3A_121 = arith.constant dense<0.000000e+00> : vector<512x128xf32>
    %dot_general3A_122 = tpu.matmul %convert_element_type3A_91, %slice3A_120, %dot_general3A_121 {dimension_numbers = #tpu.dot_dimension_numbers<[1], [0], [0], [1], [0, 0, 1, 1], [], []>, transpose_lhs_hint = false} : vector<512x512xf32>, vector<512x128xf32>, vector<512x128xf32> -> vector<512x128xf32>
    %add3A_123 = vector.broadcast %add3A_119 : vector<1x128xf32> to vector<512x128xf32>
    %add3A_124 = arith.addf %dot_general3A_122, %add3A_123 : vector<512x128xf32>
    %reduce_sum3A_125 = arith.constant dense<0.000000e+00> : vector<128xf32>
    %reduce_sum3A_126 = vector.multi_reduction <add>, %slice3A_120, %reduce_sum3A_125 [0] : vector<512x128xf32> to vector<128xf32>
    %broadcast_in_dim3A_127 = vector.shape_cast %reduce_sum3A_126 : vector<128xf32> to vector<1x128xf32>
    %add3A_128 = arith.addf %add3A_119, %broadcast_in_dim3A_127 : vector<1x128xf32>
    %slice3A_129 = vector.extract_strided_slice %convert_element_type3A_87 {offsets = [2048, 0], sizes = [512, 128], strides = [1, 1]} : vector<4096x128xf32> to vector<512x128xf32>
    %dot_general3A_130 = arith.constant dense<0.000000e+00> : vector<512x128xf32>
    %dot_general3A_131 = tpu.matmul %convert_element_type3A_91, %slice3A_129, %dot_general3A_130 {dimension_numbers = #tpu.dot_dimension_numbers<[1], [0], [0], [1], [0, 0, 1, 1], [], []>, transpose_lhs_hint = false} : vector<512x512xf32>, vector<512x128xf32>, vector<512x128xf32> -> vector<512x128xf32>
    %add3A_132 = vector.broadcast %add3A_128 : vector<1x128xf32> to vector<512x128xf32>
    %add3A_133 = arith.addf %dot_general3A_131, %add3A_132 : vector<512x128xf32>
    %reduce_sum3A_134 = arith.constant dense<0.000000e+00> : vector<128xf32>
    %reduce_sum3A_135 = vector.multi_reduction <add>, %slice3A_129, %reduce_sum3A_134 [0] : vector<512x128xf32> to vector<128xf32>
    %broadcast_in_dim3A_136 = vector.shape_cast %reduce_sum3A_135 : vector<128xf32> to vector<1x128xf32>
    %add3A_137 = arith.addf %add3A_128, %broadcast_in_dim3A_136 : vector<1x128xf32>
    %slice3A_138 = vector.extract_strided_slice %convert_element_type3A_87 {offsets = [2560, 0], sizes = [512, 128], strides = [1, 1]} : vector<4096x128xf32> to vector<512x128xf32>
    %dot_general3A_139 = arith.constant dense<0.000000e+00> : vector<512x128xf32>
    %dot_general3A_140 = tpu.matmul %convert_element_type3A_91, %slice3A_138, %dot_general3A_139 {dimension_numbers = #tpu.dot_dimension_numbers<[1], [0], [0], [1], [0, 0, 1, 1], [], []>, transpose_lhs_hint = false} : vector<512x512xf32>, vector<512x128xf32>, vector<512x128xf32> -> vector<512x128xf32>
    %add3A_141 = vector.broadcast %add3A_137 : vector<1x128xf32> to vector<512x128xf32>
    %add3A_142 = arith.addf %dot_general3A_140, %add3A_141 : vector<512x128xf32>
    %reduce_sum3A_143 = arith.constant dense<0.000000e+00> : vector<128xf32>
    %reduce_sum3A_144 = vector.multi_reduction <add>, %slice3A_138, %reduce_sum3A_143 [0] : vector<512x128xf32> to vector<128xf32>
    %broadcast_in_dim3A_145 = vector.shape_cast %reduce_sum3A_144 : vector<128xf32> to vector<1x128xf32>
    %add3A_146 = arith.addf %add3A_137, %broadcast_in_dim3A_145 : vector<1x128xf32>
    %slice3A_147 = vector.extract_strided_slice %convert_element_type3A_87 {offsets = [3072, 0], sizes = [512, 128], strides = [1, 1]} : vector<4096x128xf32> to vector<512x128xf32>
    %dot_general3A_148 = arith.constant dense<0.000000e+00> : vector<512x128xf32>
    %dot_general3A_149 = tpu.matmul %convert_element_type3A_91, %slice3A_147, %dot_general3A_148 {dimension_numbers = #tpu.dot_dimension_numbers<[1], [0], [0], [1], [0, 0, 1, 1], [], []>, transpose_lhs_hint = false} : vector<512x512xf32>, vector<512x128xf32>, vector<512x128xf32> -> vector<512x128xf32>
    %add3A_150 = vector.broadcast %add3A_146 : vector<1x128xf32> to vector<512x128xf32>
    %add3A_151 = arith.addf %dot_general3A_149, %add3A_150 : vector<512x128xf32>
    %reduce_sum3A_152 = arith.constant dense<0.000000e+00> : vector<128xf32>
    %reduce_sum3A_153 = vector.multi_reduction <add>, %slice3A_147, %reduce_sum3A_152 [0] : vector<512x128xf32> to vector<128xf32>
    %broadcast_in_dim3A_154 = vector.shape_cast %reduce_sum3A_153 : vector<128xf32> to vector<1x128xf32>
    %add3A_155 = arith.addf %add3A_146, %broadcast_in_dim3A_154 : vector<1x128xf32>
    %slice3A_156 = vector.extract_strided_slice %convert_element_type3A_87 {offsets = [3584, 0], sizes = [512, 128], strides = [1, 1]} : vector<4096x128xf32> to vector<512x128xf32>
    %dot_general3A_157 = arith.constant dense<0.000000e+00> : vector<512x128xf32>
    %dot_general3A_158 = tpu.matmul %convert_element_type3A_91, %slice3A_156, %dot_general3A_157 {dimension_numbers = #tpu.dot_dimension_numbers<[1], [0], [0], [1], [0, 0, 1, 1], [], []>, transpose_lhs_hint = false} : vector<512x512xf32>, vector<512x128xf32>, vector<512x128xf32> -> vector<512x128xf32>
    %add3A_159 = vector.broadcast %add3A_155 : vector<1x128xf32> to vector<512x128xf32>
    %add3A_160 = arith.addf %dot_general3A_158, %add3A_159 : vector<512x128xf32>
    %reduce_sum3A_161 = arith.constant dense<0.000000e+00> : vector<128xf32>
    %reduce_sum3A_162 = vector.multi_reduction <add>, %slice3A_156, %reduce_sum3A_161 [0] : vector<512x128xf32> to vector<128xf32>
    %broadcast_in_dim3A_163 = vector.shape_cast %reduce_sum3A_162 : vector<128xf32> to vector<1x128xf32>
    %add3A_164 = arith.addf %add3A_155, %broadcast_in_dim3A_163 : vector<1x128xf32>
    %concatenate3A_165 = tpu.concatenate %add3A_97, %add3A_106, %add3A_115, %add3A_124, %add3A_133, %add3A_142, %add3A_151, %add3A_160 in 0 : vector<512x128xf32>, vector<512x128xf32>, vector<512x128xf32>, vector<512x128xf32>, vector<512x128xf32>, vector<512x128xf32>, vector<512x128xf32>, vector<512x128xf32> -> vector<4096x128xf32>
    %div3A_166 = arith.constant 5.120000e+02 : f32
    %div3A_167 = vector.broadcast %div3A_166 : f32 to vector<1x128xf32>
    %div3A_168 = arith.divf %add3A_164, %div3A_167 : vector<1x128xf32>
    %ceil3A = math.ceil %div3A_168 : vector<1x128xf32>
    %mul3A_169 = arith.constant 5.120000e+02 : f32
    %mul3A_170 = vector.broadcast %mul3A_169 : f32 to vector<1x128xf32>
    %mul3A_171 = arith.mulf %ceil3A, %mul3A_170 : vector<1x128xf32>
    %iota3A_172 = tpu.iota {dimensions = array<i32: 0>} : vector<128x128xi32>
    %iota3A_173 = tpu.iota {dimensions = array<i32: 1>} : vector<128x128xi32>
    %lt3A_174 = arith.cmpi slt, %iota3A_172, %iota3A_173 : vector<128x128xi32>
    %convert_element_type3A_175 = arith.extui %lt3A_174 : vector<128x128xi1> to vector<128x128xi32>
    %convert_element_type3A_176 = arith.sitofp %convert_element_type3A_175 : vector<128x128xi32> to vector<128x128xf32>
    %dot_general3A_177 = arith.constant dense<0.000000e+00> : vector<1x128xf32>
    %dot_general3A_178 = tpu.matmul %mul3A_171, %convert_element_type3A_176, %dot_general3A_177 {dimension_numbers = #tpu.dot_dimension_numbers<[1], [0], [0], [1], [0, 0, 1, 1], [], []>, transpose_lhs_hint = false} : vector<1x128xf32>, vector<128x128xf32>, vector<1x128xf32> -> vector<1x128xf32>
    %add3A_179 = arith.addf %dot_general3A_178, %mul3A_171 : vector<1x128xf32>
    %slice3A_180 = vector.extract_strided_slice %iota3A {offsets = [0, 0], sizes = [1, 128], strides = [1, 1]} : vector<2048x128xi32> to vector<1x128xi32>
    %eq3A_181 = arith.constant 8 : i32
    %eq3A_182 = vector.broadcast %eq3A_181 : i32 to vector<1x128xi32>
    %eq3A_183 = arith.cmpi eq, %slice3A_180, %eq3A_182 : vector<1x128xi32>
    %jit3A_184 = arith.constant 0.000000e+00 : f32
    %broadcast_in_dim3A_185 = vector.broadcast %jit3A_184 : f32 to vector<1x128xf32>
    %select_n3A_186 = arith.select %eq3A_183, %dot_general3A_178, %broadcast_in_dim3A_185 : vector<1x128xi1>, vector<1x128xf32>
    %reduce_sum3A_187 = arith.constant dense<0.000000e+00> : vector<1xf32>
    %reduce_sum3A_188 = vector.multi_reduction <add>, %select_n3A_186, %reduce_sum3A_187 [1] : vector<1x128xf32> to vector<1xf32>
    %broadcast_in_dim3A_189 = vector.shape_cast %reduce_sum3A_188 : vector<1xf32> to vector<1x1xf32>
    %eq3A_190 = vector.broadcast %concatenate3A : vector<4096x1xi32> to vector<4096x128xi32>
    %eq3A_191 = arith.cmpi eq, %iota3A_83, %eq3A_190 : vector<4096x128xi32>
    %add3A_192 = vector.broadcast %dot_general3A_178 : vector<1x128xf32> to vector<4096x128xf32>
    %add3A_193 = arith.addf %add3A_192, %concatenate3A_165 : vector<4096x128xf32>
    %jit3A_194 = arith.constant 0.000000e+00 : f32
    %broadcast_in_dim3A_195 = vector.broadcast %jit3A_194 : f32 to vector<4096x128xf32>
    %select_n3A_196 = arith.select %eq3A_191, %add3A_193, %broadcast_in_dim3A_195 : vector<4096x128xi1>, vector<4096x128xf32>
    %reduce_sum3A_197 = arith.constant dense<0.000000e+00> : vector<4096xf32>
    %reduce_sum3A_198 = vector.multi_reduction <add>, %select_n3A_196, %reduce_sum3A_197 [1] : vector<4096x128xf32> to vector<4096xf32>
    %broadcast_in_dim3A_199 = vector.shape_cast %reduce_sum3A_198 : vector<4096xf32> to vector<4096x1xf32>
    %convert_element_type3A_200 = arith.fptosi %broadcast_in_dim3A_199 : vector<4096x1xf32> to vector<4096x1xi32>
    %swap3A_201 = arith.constant 0 : index
    %swap3A_202 = arith.constant 0 : index
    %swap3A_203 = vector.load %arg2[%swap3A_201, %swap3A_202] : memref<4096x1xi32, #tpu.memory_space<vmem>>, vector<4096x1xi32>
    tpu.vector_store %arg2[%swap3A_201, %swap3A_202], %convert_element_type3A_200 {strides = array<i32>} : memref<4096x1xi32, #tpu.memory_space<vmem>>, vector<4096x1xi32>,
    %iota3A_204 = tpu.iota {dimensions = array<i32: 1>} : vector<1x128xi32>
    %mul3A_205 = arith.constant 512 : i32
    %mul3A_206 = vector.broadcast %mul3A_205 : i32 to vector<1x128xi32>
    %mul3A_207 = arith.muli %iota3A_204, %mul3A_206 : vector<1x128xi32>
    %convert_element_type3A_208 = arith.sitofp %mul3A_207 : vector<1x128xi32> to vector<1x128xf32>
    %broadcast_in_dim3A_209 = arith.constant 0.000000e+00 : f32
    %broadcast_in_dim3A_210 = vector.broadcast %broadcast_in_dim3A_209 : f32 to vector<1x128xf32>
    %broadcast_in_dim3A_211 = arith.constant 0.000000e+00 : f32
    %broadcast_in_dim3A_212 = vector.broadcast %broadcast_in_dim3A_211 : f32 to vector<1x1xf32>
    %slice3A_213 = vector.extract_strided_slice %iota3A {offsets = [0, 0], sizes = [1, 128], strides = [1, 1]} : vector<2048x128xi32> to vector<1x128xi32>
    %eq3A_214 = arith.constant 0 : i32
    %eq3A_215 = vector.broadcast %eq3A_214 : i32 to vector<1x128xi32>
    %eq3A_216 = arith.cmpi eq, %slice3A_213, %eq3A_215 : vector<1x128xi32>
    %jit3A_217 = arith.constant 0.000000e+00 : f32
    %broadcast_in_dim3A_218 = vector.broadcast %jit3A_217 : f32 to vector<1x128xf32>
    %select_n3A_219 = arith.select %eq3A_216, %add3A_179, %broadcast_in_dim3A_218 : vector<1x128xi1>, vector<1x128xf32>
    %reduce_sum3A_220 = arith.constant dense<0.000000e+00> : vector<1xf32>
    %reduce_sum3A_221 = vector.multi_reduction <add>, %select_n3A_219, %reduce_sum3A_220 [1] : vector<1x128xf32> to vector<1xf32>
    %broadcast_in_dim3A_222 = vector.shape_cast %reduce_sum3A_221 : vector<1xf32> to vector<1x1xf32>
    %ge3A = vector.broadcast %broadcast_in_dim3A_222 : vector<1x1xf32> to vector<1x128xf32>
    %ge3A_223 = arith.cmpf oge, %convert_element_type3A_208, %ge3A : vector<1x128xf32>
    %convert_element_type3A_224 = arith.extui %ge3A_223 : vector<1x128xi1> to vector<1x128xi32>
    %convert_element_type3A_225 = arith.sitofp %convert_element_type3A_224 : vector<1x128xi32> to vector<1x128xf32>
    %add3A_226 = arith.addf %broadcast_in_dim3A_210, %convert_element_type3A_225 : vector<1x128xf32>
    %sub3A_227 = arith.constant 5.120000e+02 : f32
    %sub3A_228 = vector.broadcast %sub3A_227 : f32 to vector<1x1xf32>
    %sub3A_229 = arith.subf %broadcast_in_dim3A_189, %sub3A_228 : vector<1x1xf32>
    %ge3A_230 = arith.cmpf oge, %sub3A_229, %broadcast_in_dim3A_222 : vector<1x1xf32>
    %convert_element_type3A_231 = arith.extui %ge3A_230 : vector<1x1xi1> to vector<1x1xi32>
    %convert_element_type3A_232 = arith.sitofp %convert_element_type3A_231 : vector<1x1xi32> to vector<1x1xf32>
    %add3A_233 = arith.addf %broadcast_in_dim3A_212, %convert_element_type3A_232 : vector<1x1xf32>
    %slice3A_234 = vector.extract_strided_slice %iota3A {offsets = [0, 0], sizes = [1, 128], strides = [1, 1]} : vector<2048x128xi32> to vector<1x128xi32>
    %eq3A_235 = arith.constant 1 : i32
    %eq3A_236 = vector.broadcast %eq3A_235 : i32 to vector<1x128xi32>
    %eq3A_237 = arith.cmpi eq, %slice3A_234, %eq3A_236 : vector<1x128xi32>
    %jit3A_238 = arith.constant 0.000000e+00 : f32
    %broadcast_in_dim3A_239 = vector.broadcast %jit3A_238 : f32 to vector<1x128xf32>
    %select_n3A_240 = arith.select %eq3A_237, %add3A_179, %broadcast_in_dim3A_239 : vector<1x128xi1>, vector<1x128xf32>
    %reduce_sum3A_241 = arith.constant dense<0.000000e+00> : vector<1xf32>
    %reduce_sum3A_242 = vector.multi_reduction <add>, %select_n3A_240, %reduce_sum3A_241 [1] : vector<1x128xf32> to vector<1xf32>
    %broadcast_in_dim3A_243 = vector.shape_cast %reduce_sum3A_242 : vector<1xf32> to vector<1x1xf32>
    %ge3A_244 = vector.broadcast %broadcast_in_dim3A_243 : vector<1x1xf32> to vector<1x128xf32>
    %ge3A_245 = arith.cmpf oge, %convert_element_type3A_208, %ge3A_244 : vector<1x128xf32>
    %convert_element_type3A_246 = arith.extui %ge3A_245 : vector<1x128xi1> to vector<1x128xi32>
    %convert_element_type3A_247 = arith.sitofp %convert_element_type3A_246 : vector<1x128xi32> to vector<1x128xf32>
    %add3A_248 = arith.addf %add3A_226, %convert_element_type3A_247 : vector<1x128xf32>
    %sub3A_249 = arith.constant 5.120000e+02 : f32
    %sub3A_250 = vector.broadcast %sub3A_249 : f32 to vector<1x1xf32>
    %sub3A_251 = arith.subf %broadcast_in_dim3A_189, %sub3A_250 : vector<1x1xf32>
    %ge3A_252 = arith.cmpf oge, %sub3A_251, %broadcast_in_dim3A_243 : vector<1x1xf32>
    %convert_element_type3A_253 = arith.extui %ge3A_252 : vector<1x1xi1> to vector<1x1xi32>
    %convert_element_type3A_254 = arith.sitofp %convert_element_type3A_253 : vector<1x1xi32> to vector<1x1xf32>
    %add3A_255 = arith.addf %add3A_233, %convert_element_type3A_254 : vector<1x1xf32>
    %slice3A_256 = vector.extract_strided_slice %iota3A {offsets = [0, 0], sizes = [1, 128], strides = [1, 1]} : vector<2048x128xi32> to vector<1x128xi32>
    %eq3A_257 = arith.constant 2 : i32
    %eq3A_258 = vector.broadcast %eq3A_257 : i32 to vector<1x128xi32>
    %eq3A_259 = arith.cmpi eq, %slice3A_256, %eq3A_258 : vector<1x128xi32>
    %jit3A_260 = arith.constant 0.000000e+00 : f32
    %broadcast_in_dim3A_261 = vector.broadcast %jit3A_260 : f32 to vector<1x128xf32>
    %select_n3A_262 = arith.select %eq3A_259, %add3A_179, %broadcast_in_dim3A_261 : vector<1x128xi1>, vector<1x128xf32>
    %reduce_sum3A_263 = arith.constant dense<0.000000e+00> : vector<1xf32>
    %reduce_sum3A_264 = vector.multi_reduction <add>, %select_n3A_262, %reduce_sum3A_263 [1] : vector<1x128xf32> to vector<1xf32>
    %broadcast_in_dim3A_265 = vector.shape_cast %reduce_sum3A_264 : vector<1xf32> to vector<1x1xf32>
    %ge3A_266 = vector.broadcast %broadcast_in_dim3A_265 : vector<1x1xf32> to vector<1x128xf32>
    %ge3A_267 = arith.cmpf oge, %convert_element_type3A_208, %ge3A_266 : vector<1x128xf32>
    %convert_element_type3A_268 = arith.extui %ge3A_267 : vector<1x128xi1> to vector<1x128xi32>
    %convert_element_type3A_269 = arith.sitofp %convert_element_type3A_268 : vector<1x128xi32> to vector<1x128xf32>
    %add3A_270 = arith.addf %add3A_248, %convert_element_type3A_269 : vector<1x128xf32>
    %sub3A_271 = arith.constant 5.120000e+02 : f32
    %sub3A_272 = vector.broadcast %sub3A_271 : f32 to vector<1x1xf32>
    %sub3A_273 = arith.subf %broadcast_in_dim3A_189, %sub3A_272 : vector<1x1xf32>
    %ge3A_274 = arith.cmpf oge, %sub3A_273, %broadcast_in_dim3A_265 : vector<1x1xf32>
    %convert_element_type3A_275 = arith.extui %ge3A_274 : vector<1x1xi1> to vector<1x1xi32>
    %convert_element_type3A_276 = arith.sitofp %convert_element_type3A_275 : vector<1x1xi32> to vector<1x1xf32>
    %add3A_277 = arith.addf %add3A_255, %convert_element_type3A_276 : vector<1x1xf32>
    %slice3A_278 = vector.extract_strided_slice %iota3A {offsets = [0, 0], sizes = [1, 128], strides = [1, 1]} : vector<2048x128xi32> to vector<1x128xi32>
    %eq3A_279 = arith.constant 3 : i32
    %eq3A_280 = vector.broadcast %eq3A_279 : i32 to vector<1x128xi32>
    %eq3A_281 = arith.cmpi eq, %slice3A_278, %eq3A_280 : vector<1x128xi32>
    %jit3A_282 = arith.constant 0.000000e+00 : f32
    %broadcast_in_dim3A_283 = vector.broadcast %jit3A_282 : f32 to vector<1x128xf32>
    %select_n3A_284 = arith.select %eq3A_281, %add3A_179, %broadcast_in_dim3A_283 : vector<1x128xi1>, vector<1x128xf32>
    %reduce_sum3A_285 = arith.constant dense<0.000000e+00> : vector<1xf32>
    %reduce_sum3A_286 = vector.multi_reduction <add>, %select_n3A_284, %reduce_sum3A_285 [1] : vector<1x128xf32> to vector<1xf32>
    %broadcast_in_dim3A_287 = vector.shape_cast %reduce_sum3A_286 : vector<1xf32> to vector<1x1xf32>
    %ge3A_288 = vector.broadcast %broadcast_in_dim3A_287 : vector<1x1xf32> to vector<1x128xf32>
    %ge3A_289 = arith.cmpf oge, %convert_element_type3A_208, %ge3A_288 : vector<1x128xf32>
    %convert_element_type3A_290 = arith.extui %ge3A_289 : vector<1x128xi1> to vector<1x128xi32>
    %convert_element_type3A_291 = arith.sitofp %convert_element_type3A_290 : vector<1x128xi32> to vector<1x128xf32>
    %add3A_292 = arith.addf %add3A_270, %convert_element_type3A_291 : vector<1x128xf32>
    %sub3A_293 = arith.constant 5.120000e+02 : f32
    %sub3A_294 = vector.broadcast %sub3A_293 : f32 to vector<1x1xf32>
    %sub3A_295 = arith.subf %broadcast_in_dim3A_189, %sub3A_294 : vector<1x1xf32>
    %ge3A_296 = arith.cmpf oge, %sub3A_295, %broadcast_in_dim3A_287 : vector<1x1xf32>
    %convert_element_type3A_297 = arith.extui %ge3A_296 : vector<1x1xi1> to vector<1x1xi32>
    %convert_element_type3A_298 = arith.sitofp %convert_element_type3A_297 : vector<1x1xi32> to vector<1x1xf32>
    %add3A_299 = arith.addf %add3A_277, %convert_element_type3A_298 : vector<1x1xf32>
    %slice3A_300 = vector.extract_strided_slice %iota3A {offsets = [0, 0], sizes = [1, 128], strides = [1, 1]} : vector<2048x128xi32> to vector<1x128xi32>
    %eq3A_301 = arith.constant 4 : i32
    %eq3A_302 = vector.broadcast %eq3A_301 : i32 to vector<1x128xi32>
    %eq3A_303 = arith.cmpi eq, %slice3A_300, %eq3A_302 : vector<1x128xi32>
    %jit3A_304 = arith.constant 0.000000e+00 : f32
    %broadcast_in_dim3A_305 = vector.broadcast %jit3A_304 : f32 to vector<1x128xf32>
    %select_n3A_306 = arith.select %eq3A_303, %add3A_179, %broadcast_in_dim3A_305 : vector<1x128xi1>, vector<1x128xf32>
    %reduce_sum3A_307 = arith.constant dense<0.000000e+00> : vector<1xf32>
    %reduce_sum3A_308 = vector.multi_reduction <add>, %select_n3A_306, %reduce_sum3A_307 [1] : vector<1x128xf32> to vector<1xf32>
    %broadcast_in_dim3A_309 = vector.shape_cast %reduce_sum3A_308 : vector<1xf32> to vector<1x1xf32>
    %ge3A_310 = vector.broadcast %broadcast_in_dim3A_309 : vector<1x1xf32> to vector<1x128xf32>
    %ge3A_311 = arith.cmpf oge, %convert_element_type3A_208, %ge3A_310 : vector<1x128xf32>
    %convert_element_type3A_312 = arith.extui %ge3A_311 : vector<1x128xi1> to vector<1x128xi32>
    %convert_element_type3A_313 = arith.sitofp %convert_element_type3A_312 : vector<1x128xi32> to vector<1x128xf32>
    %add3A_314 = arith.addf %add3A_292, %convert_element_type3A_313 : vector<1x128xf32>
    %sub3A_315 = arith.constant 5.120000e+02 : f32
    %sub3A_316 = vector.broadcast %sub3A_315 : f32 to vector<1x1xf32>
    %sub3A_317 = arith.subf %broadcast_in_dim3A_189, %sub3A_316 : vector<1x1xf32>
    %ge3A_318 = arith.cmpf oge, %sub3A_317, %broadcast_in_dim3A_309 : vector<1x1xf32>
    %convert_element_type3A_319 = arith.extui %ge3A_318 : vector<1x1xi1> to vector<1x1xi32>
    %convert_element_type3A_320 = arith.sitofp %convert_element_type3A_319 : vector<1x1xi32> to vector<1x1xf32>
    %add3A_321 = arith.addf %add3A_299, %convert_element_type3A_320 : vector<1x1xf32>
    %slice3A_322 = vector.extract_strided_slice %iota3A {offsets = [0, 0], sizes = [1, 128], strides = [1, 1]} : vector<2048x128xi32> to vector<1x128xi32>
    %eq3A_323 = arith.constant 5 : i32
    %eq3A_324 = vector.broadcast %eq3A_323 : i32 to vector<1x128xi32>
    %eq3A_325 = arith.cmpi eq, %slice3A_322, %eq3A_324 : vector<1x128xi32>
    %jit3A_326 = arith.constant 0.000000e+00 : f32
    %broadcast_in_dim3A_327 = vector.broadcast %jit3A_326 : f32 to vector<1x128xf32>
    %select_n3A_328 = arith.select %eq3A_325, %add3A_179, %broadcast_in_dim3A_327 : vector<1x128xi1>, vector<1x128xf32>
    %reduce_sum3A_329 = arith.constant dense<0.000000e+00> : vector<1xf32>
    %reduce_sum3A_330 = vector.multi_reduction <add>, %select_n3A_328, %reduce_sum3A_329 [1] : vector<1x128xf32> to vector<1xf32>
    %broadcast_in_dim3A_331 = vector.shape_cast %reduce_sum3A_330 : vector<1xf32> to vector<1x1xf32>
    %ge3A_332 = vector.broadcast %broadcast_in_dim3A_331 : vector<1x1xf32> to vector<1x128xf32>
    %ge3A_333 = arith.cmpf oge, %convert_element_type3A_208, %ge3A_332 : vector<1x128xf32>
    %convert_element_type3A_334 = arith.extui %ge3A_333 : vector<1x128xi1> to vector<1x128xi32>
    %convert_element_type3A_335 = arith.sitofp %convert_element_type3A_334 : vector<1x128xi32> to vector<1x128xf32>
    %add3A_336 = arith.addf %add3A_314, %convert_element_type3A_335 : vector<1x128xf32>
    %sub3A_337 = arith.constant 5.120000e+02 : f32
    %sub3A_338 = vector.broadcast %sub3A_337 : f32 to vector<1x1xf32>
    %sub3A_339 = arith.subf %broadcast_in_dim3A_189, %sub3A_338 : vector<1x1xf32>
    %ge3A_340 = arith.cmpf oge, %sub3A_339, %broadcast_in_dim3A_331 : vector<1x1xf32>
    %convert_element_type3A_341 = arith.extui %ge3A_340 : vector<1x1xi1> to vector<1x1xi32>
    %convert_element_type3A_342 = arith.sitofp %convert_element_type3A_341 : vector<1x1xi32> to vector<1x1xf32>
    %add3A_343 = arith.addf %add3A_321, %convert_element_type3A_342 : vector<1x1xf32>
    %slice3A_344 = vector.extract_strided_slice %iota3A {offsets = [0, 0], sizes = [1, 128], strides = [1, 1]} : vector<2048x128xi32> to vector<1x128xi32>
    %eq3A_345 = arith.constant 6 : i32
    %eq3A_346 = vector.broadcast %eq3A_345 : i32 to vector<1x128xi32>
    %eq3A_347 = arith.cmpi eq, %slice3A_344, %eq3A_346 : vector<1x128xi32>
    %jit3A_348 = arith.constant 0.000000e+00 : f32
    %broadcast_in_dim3A_349 = vector.broadcast %jit3A_348 : f32 to vector<1x128xf32>
    %select_n3A_350 = arith.select %eq3A_347, %add3A_179, %broadcast_in_dim3A_349 : vector<1x128xi1>, vector<1x128xf32>
    %reduce_sum3A_351 = arith.constant dense<0.000000e+00> : vector<1xf32>
    %reduce_sum3A_352 = vector.multi_reduction <add>, %select_n3A_350, %reduce_sum3A_351 [1] : vector<1x128xf32> to vector<1xf32>
    %broadcast_in_dim3A_353 = vector.shape_cast %reduce_sum3A_352 : vector<1xf32> to vector<1x1xf32>
    %ge3A_354 = vector.broadcast %broadcast_in_dim3A_353 : vector<1x1xf32> to vector<1x128xf32>
    %ge3A_355 = arith.cmpf oge, %convert_element_type3A_208, %ge3A_354 : vector<1x128xf32>
    %convert_element_type3A_356 = arith.extui %ge3A_355 : vector<1x128xi1> to vector<1x128xi32>
    %convert_element_type3A_357 = arith.sitofp %convert_element_type3A_356 : vector<1x128xi32> to vector<1x128xf32>
    %add3A_358 = arith.addf %add3A_336, %convert_element_type3A_357 : vector<1x128xf32>
    %sub3A_359 = arith.constant 5.120000e+02 : f32
    %sub3A_360 = vector.broadcast %sub3A_359 : f32 to vector<1x1xf32>
    %sub3A_361 = arith.subf %broadcast_in_dim3A_189, %sub3A_360 : vector<1x1xf32>
    %ge3A_362 = arith.cmpf oge, %sub3A_361, %broadcast_in_dim3A_353 : vector<1x1xf32>
    %convert_element_type3A_363 = arith.extui %ge3A_362 : vector<1x1xi1> to vector<1x1xi32>
    %convert_element_type3A_364 = arith.sitofp %convert_element_type3A_363 : vector<1x1xi32> to vector<1x1xf32>
    %add3A_365 = arith.addf %add3A_343, %convert_element_type3A_364 : vector<1x1xf32>
    %slice3A_366 = vector.extract_strided_slice %iota3A {offsets = [0, 0], sizes = [1, 128], strides = [1, 1]} : vector<2048x128xi32> to vector<1x128xi32>
    %eq3A_367 = arith.constant 7 : i32
    %eq3A_368 = vector.broadcast %eq3A_367 : i32 to vector<1x128xi32>
    %eq3A_369 = arith.cmpi eq, %slice3A_366, %eq3A_368 : vector<1x128xi32>
    %jit3A_370 = arith.constant 0.000000e+00 : f32
    %broadcast_in_dim3A_371 = vector.broadcast %jit3A_370 : f32 to vector<1x128xf32>
    %select_n3A_372 = arith.select %eq3A_369, %add3A_179, %broadcast_in_dim3A_371 : vector<1x128xi1>, vector<1x128xf32>
    %reduce_sum3A_373 = arith.constant dense<0.000000e+00> : vector<1xf32>
    %reduce_sum3A_374 = vector.multi_reduction <add>, %select_n3A_372, %reduce_sum3A_373 [1] : vector<1x128xf32> to vector<1xf32>
    %broadcast_in_dim3A_375 = vector.shape_cast %reduce_sum3A_374 : vector<1xf32> to vector<1x1xf32>
    %ge3A_376 = vector.broadcast %broadcast_in_dim3A_375 : vector<1x1xf32> to vector<1x128xf32>
    %ge3A_377 = arith.cmpf oge, %convert_element_type3A_208, %ge3A_376 : vector<1x128xf32>
    %convert_element_type3A_378 = arith.extui %ge3A_377 : vector<1x128xi1> to vector<1x128xi32>
    %convert_element_type3A_379 = arith.sitofp %convert_element_type3A_378 : vector<1x128xi32> to vector<1x128xf32>
    %add3A_380 = arith.addf %add3A_358, %convert_element_type3A_379 : vector<1x128xf32>
    %sub3A_381 = arith.constant 5.120000e+02 : f32
    %sub3A_382 = vector.broadcast %sub3A_381 : f32 to vector<1x1xf32>
    %sub3A_383 = arith.subf %broadcast_in_dim3A_189, %sub3A_382 : vector<1x1xf32>
    %ge3A_384 = arith.cmpf oge, %sub3A_383, %broadcast_in_dim3A_375 : vector<1x1xf32>
    %convert_element_type3A_385 = arith.extui %ge3A_384 : vector<1x1xi1> to vector<1x1xi32>
    %convert_element_type3A_386 = arith.sitofp %convert_element_type3A_385 : vector<1x1xi32> to vector<1x1xf32>
    %add3A_387 = arith.addf %add3A_365, %convert_element_type3A_386 : vector<1x1xf32>
    %lt3A_388 = vector.broadcast %broadcast_in_dim3A_189 : vector<1x1xf32> to vector<1x128xf32>
    %lt3A_389 = arith.cmpf olt, %convert_element_type3A_208, %lt3A_388 : vector<1x128xf32>
    %broadcast_in_dim3A_390 = vector.shape_cast %add3A_387 : vector<1x1xf32> to vector<1x1xf32>
    %broadcast_in_dim3A_391 = vector.broadcast %broadcast_in_dim3A_390 : vector<1x1xf32> to vector<1x128xf32>
    %select_n3A_392 = arith.select %lt3A_389, %add3A_380, %broadcast_in_dim3A_391 : vector<1x128xi1>, vector<1x128xf32>
    %div3A_393 = arith.constant 5.120000e+02 : f32
    %div3A_394 = vector.broadcast %div3A_393 : f32 to vector<1x1xf32>
    %div3A_395 = arith.divf %broadcast_in_dim3A_189, %div3A_394 : vector<1x1xf32>
    %convert_element_type3A_396 = arith.fptosi %div3A_395 : vector<1x1xf32> to vector<1x1xi32>
    %sub3A_397 = arith.constant 1 : i32
    %sub3A_398 = vector.broadcast %sub3A_397 : i32 to vector<1x1xi32>
    %sub3A_399 = arith.subi %convert_element_type3A_396, %sub3A_398 : vector<1x1xi32>
    %broadcast_in_dim3A_400 = vector.shape_cast %sub3A_399 : vector<1x1xi32> to vector<1x1xi32>
    %broadcast_in_dim3A_401 = vector.broadcast %broadcast_in_dim3A_400 : vector<1x1xi32> to vector<1x128xi32>
    %select_n3A_402 = arith.select %lt3A_389, %iota3A_204, %broadcast_in_dim3A_401 : vector<1x128xi1>, vector<1x128xi32>
    %convert_element_type3A_403 = arith.fptosi %select_n3A_392 : vector<1x128xf32> to vector<1x128xi32>
    %convert_element_type3A_404 = arith.extui %lt3A_389 : vector<1x128xi1> to vector<1x128xi32>
    %convert_element_type3A_405 = arith.fptosi %broadcast_in_dim3A_189 : vector<1x1xf32> to vector<1x1xi32>
    %broadcast_in_dim3A_406 = vector.shape_cast %convert_element_type3A_405 : vector<1x1xi32> to vector<1x1xi32>
    %broadcast_in_dim3A_407 = vector.broadcast %broadcast_in_dim3A_406 : vector<1x1xi32> to vector<1x128xi32>
    %broadcast_in_dim3A_408 = arith.constant 0 : i32
    %broadcast_in_dim3A_409 = vector.broadcast %broadcast_in_dim3A_408 : i32 to vector<4x128xi32>
    %concatenate3A_410 = tpu.concatenate %convert_element_type3A_403, %select_n3A_402, %convert_element_type3A_404, %broadcast_in_dim3A_407, %broadcast_in_dim3A_409 in 0 : vector<1x128xi32>, vector<1x128xi32>, vector<1x128xi32>, vector<1x128xi32>, vector<4x128xi32> -> vector<8x128xi32>
    %swap3A_411 = arith.constant 0 : index
    %swap3A_412 = arith.constant 0 : index
    %swap3A_413 = vector.load %arg5[%swap3A_411, %swap3A_412] : memref<8x128xi32, #tpu.memory_space<vmem>>, vector<8x128xi32>
    tpu.vector_store %arg5[%swap3A_411, %swap3A_412], %concatenate3A_410 {strides = array<i32>} : memref<8x128xi32, #tpu.memory_space<vmem>>, vector<8x128xi32>,
    return
  }
}

module attributes {stable_mosaic.version = 14 : i64} {
  func.func @_shared_body(%arg0: i32, %arg1: memref<512x1024xf32, #tpu.memory_space<vmem>>, %arg2: memref<1x512x1024xf32, #tpu.memory_space<vmem>>, %arg3: memref<1x512x1024xf32, #tpu.memory_space<vmem>>, %arg4: memref<1x1024x512xf32, #tpu.memory_space<vmem>>, %arg5: memref<512x1024xbf16, #tpu.memory_space<vmem>>) attributes {dimension_semantics = [#tpu.dimension_semantics<arbitrary>], iteration_bounds = array<i64: 4>, scalar_prefetch = 0 : i64, scratch_operands = 0 : i64, tpu.core_type = #tpu.core_type<tc>, window_params = [{transform_indices = @transform_0, window_bounds = array<i64: 512, 1024>}, {pipeline_mode = #tpu.pipeline_mode<synchronous>, transform_indices = @transform_1, window_bounds = array<i64: 1, 512, 1024>}, {pipeline_mode = #tpu.pipeline_mode<synchronous>, transform_indices = @transform_2, window_bounds = array<i64: 1, 512, 1024>}, {pipeline_mode = #tpu.pipeline_mode<synchronous>, transform_indices = @transform_3, window_bounds = array<i64: 1, 1024, 512>}, {transform_indices = @transform_4, window_bounds = array<i64: 512, 1024>}]} {
    %get3A = arith.constant 0 : index
    %get3A_0 = arith.constant 0 : index
    %get3A_1 = vector.load %arg1[%get3A, %get3A_0] : memref<512x1024xf32, #tpu.memory_space<vmem>>, vector<512x1024xf32>
    %convert_element_type3A = arith.truncf %get3A_1 : vector<512x1024xf32> to vector<512x1024xbf16>
    %get3A_2 = arith.constant 0 : index
    %get3A_3 = arith.constant 0 : index
    %get3A_4 = arith.constant 0 : index
    %get3A_5 = vector.load %arg2[%get3A_2, %get3A_3, %get3A_4] : memref<1x512x1024xf32, #tpu.memory_space<vmem>>, vector<1x512x1024xf32>
    %get3A_6 = vector.shape_cast %get3A_5 : vector<1x512x1024xf32> to vector<512x1024xf32>
    %convert_element_type3A_7 = arith.truncf %get3A_6 : vector<512x1024xf32> to vector<512x1024xbf16>
    %get3A_8 = arith.constant 0 : index
    %get3A_9 = arith.constant 0 : index
    %get3A_10 = arith.constant 0 : index
    %get3A_11 = vector.load %arg3[%get3A_8, %get3A_9, %get3A_10] : memref<1x512x1024xf32, #tpu.memory_space<vmem>>, vector<1x512x1024xf32>
    %get3A_12 = vector.shape_cast %get3A_11 : vector<1x512x1024xf32> to vector<512x1024xf32>
    %convert_element_type3A_13 = arith.truncf %get3A_12 : vector<512x1024xf32> to vector<512x1024xbf16>
    %get3A_14 = arith.constant 0 : index
    %get3A_15 = arith.constant 0 : index
    %get3A_16 = arith.constant 0 : index
    %get3A_17 = vector.load %arg4[%get3A_14, %get3A_15, %get3A_16] : memref<1x1024x512xf32, #tpu.memory_space<vmem>>, vector<1x1024x512xf32>
    %get3A_18 = vector.shape_cast %get3A_17 : vector<1x1024x512xf32> to vector<1024x512xf32>
    %convert_element_type3A_19 = arith.truncf %get3A_18 : vector<1024x512xf32> to vector<1024x512xbf16>
    %dot_general3A = arith.constant dense<0.000000e+00> : vector<512x512xf32>
    %dot_general3A_20 = tpu.matmul %convert_element_type3A, %convert_element_type3A_7, %dot_general3A {dimension_numbers = #tpu.dot_dimension_numbers<[1], [1], [0], [0], [0, 0, 1, 0], [], []>, transpose_lhs_hint = false} : vector<512x1024xbf16>, vector<512x1024xbf16>, vector<512x512xf32> -> vector<512x512xf32>
    %dot_general3A_21 = arith.constant dense<0.000000e+00> : vector<512x512xf32>
    %dot_general3A_22 = tpu.matmul %convert_element_type3A, %convert_element_type3A_13, %dot_general3A_21 {dimension_numbers = #tpu.dot_dimension_numbers<[1], [1], [0], [0], [0, 0, 1, 0], [], []>, transpose_lhs_hint = false} : vector<512x1024xbf16>, vector<512x1024xbf16>, vector<512x512xf32> -> vector<512x512xf32>
    %logistic3A = arith.negf %dot_general3A_20 : vector<512x512xf32>
    %logistic3A_23 = math.exp %logistic3A : vector<512x512xf32>
    %logistic3A_24 = arith.constant 1.000000e+00 : f32
    %logistic3A_25 = vector.broadcast %logistic3A_24 : f32 to vector<512x512xf32>
    %logistic3A_26 = arith.addf %logistic3A_25, %logistic3A_23 : vector<512x512xf32>
    %logistic3A_27 = arith.divf %logistic3A_25, %logistic3A_26 : vector<512x512xf32>
    %mul3A = arith.mulf %dot_general3A_20, %logistic3A_27 : vector<512x512xf32>
    %mul3A_28 = arith.mulf %mul3A, %dot_general3A_22 : vector<512x512xf32>
    %convert_element_type3A_29 = arith.truncf %mul3A_28 : vector<512x512xf32> to vector<512x512xbf16>
    %dot_general3A_30 = arith.constant dense<0.000000e+00> : vector<512x1024xf32>
    %dot_general3A_31 = tpu.matmul %convert_element_type3A_29, %convert_element_type3A_19, %dot_general3A_30 {dimension_numbers = #tpu.dot_dimension_numbers<[1], [1], [0], [0], [0, 0, 1, 0], [], []>, transpose_lhs_hint = false} : vector<512x512xbf16>, vector<1024x512xbf16>, vector<512x1024xf32> -> vector<512x1024xf32>
    %convert_element_type3A_32 = arith.truncf %dot_general3A_31 : vector<512x1024xf32> to vector<512x1024xbf16>
    %swap3A = arith.constant 0 : index
    %swap3A_33 = arith.constant 0 : index
    %swap3A_34 = vector.load %arg5[%swap3A, %swap3A_33] : memref<512x1024xbf16, #tpu.memory_space<vmem>>, vector<512x1024xbf16>
    tpu.vector_store %arg5[%swap3A, %swap3A_33], %convert_element_type3A_32 {strides = array<i32>} : memref<512x1024xbf16, #tpu.memory_space<vmem>>, vector<512x1024xbf16>,
    return
  }
  func.func @transform_0(%arg0: i32) -> (i32, i32) {
    %c0_i32 = arith.constant 0 : i32
    %c0_i32_0 = arith.constant 0 : i32
    return %arg0, %c0_i32 : i32, i32
  }
  func.func @transform_1(%arg0: i32) -> (i32, i32, i32) {
    %c0_i32 = arith.constant 0 : i32
    %c0_i32_0 = arith.constant 0 : i32
    %c0_i32_1 = arith.constant 0 : i32
    %c0_i32_2 = arith.constant 0 : i32
    return %c0_i32, %c0_i32_0, %c0_i32_1 : i32, i32, i32
  }
  func.func @transform_2(%arg0: i32) -> (i32, i32, i32) {
    %c0_i32 = arith.constant 0 : i32
    %c0_i32_0 = arith.constant 0 : i32
    %c0_i32_1 = arith.constant 0 : i32
    %c0_i32_2 = arith.constant 0 : i32
    return %c0_i32, %c0_i32_0, %c0_i32_1 : i32, i32, i32
  }
  func.func @transform_3(%arg0: i32) -> (i32, i32, i32) {
    %c0_i32 = arith.constant 0 : i32
    %c0_i32_0 = arith.constant 0 : i32
    %c0_i32_1 = arith.constant 0 : i32
    %c0_i32_2 = arith.constant 0 : i32
    return %c0_i32, %c0_i32_0, %c0_i32_1 : i32, i32, i32
  }
  func.func @transform_4(%arg0: i32) -> (i32, i32) {
    %c0_i32 = arith.constant 0 : i32
    %c0_i32_0 = arith.constant 0 : i32
    return %arg0, %c0_i32 : i32, i32
  }
}

module attributes {stable_mosaic.version = 14 : i64} {
  func.func @_gmm_body(%arg0: i32, %arg1: memref<16xi32, #tpu.memory_space<smem>>, %arg2: memref<16xi32, #tpu.memory_space<smem>>, %arg3: memref<16xi32, #tpu.memory_space<smem>>, %arg4: memref<512x1024xf32, #tpu.memory_space<vmem>>, %arg5: memref<1x512x1024xf32, #tpu.memory_space<vmem>>, %arg6: memref<1x512x1024xf32, #tpu.memory_space<vmem>>, %arg7: memref<1x1024x512xf32, #tpu.memory_space<vmem>>, %arg8: memref<512x1024xf32, #tpu.memory_space<vmem>>) attributes {dimension_semantics = [#tpu.dimension_semantics<arbitrary>], iteration_bounds = array<i64: 16>, scalar_prefetch = 3 : i64, scratch_operands = 0 : i64, tpu.core_type = #tpu.core_type<tc>, window_params = [{transform_indices = @transform_0, window_bounds = array<i64: 512, 1024>}, {transform_indices = @transform_1, window_bounds = array<i64: 1, 512, 1024>}, {transform_indices = @transform_2, window_bounds = array<i64: 1, 512, 1024>}, {transform_indices = @transform_3, window_bounds = array<i64: 1, 1024, 512>}, {transform_indices = @transform_4, window_bounds = array<i64: 512, 1024>}]} {
    %get3A = arith.index_cast %arg0 : i32 to index
    %get3A_0 = memref.load %arg3[%get3A] : memref<16xi32, #tpu.memory_space<smem>>
    %eq3A = arith.constant 1 : i32
    %eq3A_1 = arith.cmpi eq, %get3A_0, %eq3A : i32
    %convert_element_type3A = arith.extui %eq3A_1 : i1 to i32
    %cond3A = arith.constant 0 : i32
    %cond3A_2 = arith.cmpi ne, %convert_element_type3A, %cond3A : i32
    scf.if %cond3A_2 {
      %get3A_3 = arith.constant 0 : index
      %get3A_4 = arith.constant 0 : index
      %get3A_5 = vector.load %arg4[%get3A_3, %get3A_4] : memref<512x1024xf32, #tpu.memory_space<vmem>>, vector<512x1024xf32>
      %convert_element_type3A_6 = arith.truncf %get3A_5 : vector<512x1024xf32> to vector<512x1024xbf16>
      %get3A_7 = arith.constant 0 : index
      %get3A_8 = arith.constant 0 : index
      %get3A_9 = arith.constant 0 : index
      %get3A_10 = vector.load %arg5[%get3A_7, %get3A_8, %get3A_9] : memref<1x512x1024xf32, #tpu.memory_space<vmem>>, vector<1x512x1024xf32>
      %get3A_11 = vector.shape_cast %get3A_10 : vector<1x512x1024xf32> to vector<512x1024xf32>
      %convert_element_type3A_12 = arith.truncf %get3A_11 : vector<512x1024xf32> to vector<512x1024xbf16>
      %get3A_13 = arith.constant 0 : index
      %get3A_14 = arith.constant 0 : index
      %get3A_15 = arith.constant 0 : index
      %get3A_16 = vector.load %arg6[%get3A_13, %get3A_14, %get3A_15] : memref<1x512x1024xf32, #tpu.memory_space<vmem>>, vector<1x512x1024xf32>
      %get3A_17 = vector.shape_cast %get3A_16 : vector<1x512x1024xf32> to vector<512x1024xf32>
      %convert_element_type3A_18 = arith.truncf %get3A_17 : vector<512x1024xf32> to vector<512x1024xbf16>
      %get3A_19 = arith.constant 0 : index
      %get3A_20 = arith.constant 0 : index
      %get3A_21 = arith.constant 0 : index
      %get3A_22 = vector.load %arg7[%get3A_19, %get3A_20, %get3A_21] : memref<1x1024x512xf32, #tpu.memory_space<vmem>>, vector<1x1024x512xf32>
      %get3A_23 = vector.shape_cast %get3A_22 : vector<1x1024x512xf32> to vector<1024x512xf32>
      %convert_element_type3A_24 = arith.truncf %get3A_23 : vector<1024x512xf32> to vector<1024x512xbf16>
      %dot_general3A = arith.constant dense<0.000000e+00> : vector<512x512xf32>
      %dot_general3A_25 = tpu.matmul %convert_element_type3A_6, %convert_element_type3A_12, %dot_general3A {dimension_numbers = #tpu.dot_dimension_numbers<[1], [1], [0], [0], [0, 0, 1, 0], [], []>, transpose_lhs_hint = false} : vector<512x1024xbf16>, vector<512x1024xbf16>, vector<512x512xf32> -> vector<512x512xf32>
      %dot_general3A_26 = arith.constant dense<0.000000e+00> : vector<512x512xf32>
      %dot_general3A_27 = tpu.matmul %convert_element_type3A_6, %convert_element_type3A_18, %dot_general3A_26 {dimension_numbers = #tpu.dot_dimension_numbers<[1], [1], [0], [0], [0, 0, 1, 0], [], []>, transpose_lhs_hint = false} : vector<512x1024xbf16>, vector<512x1024xbf16>, vector<512x512xf32> -> vector<512x512xf32>
      %logistic3A = arith.negf %dot_general3A_25 : vector<512x512xf32>
      %logistic3A_28 = math.exp %logistic3A : vector<512x512xf32>
      %logistic3A_29 = arith.constant 1.000000e+00 : f32
      %logistic3A_30 = vector.broadcast %logistic3A_29 : f32 to vector<512x512xf32>
      %logistic3A_31 = arith.addf %logistic3A_30, %logistic3A_28 : vector<512x512xf32>
      %logistic3A_32 = arith.divf %logistic3A_30, %logistic3A_31 : vector<512x512xf32>
      %mul3A = arith.mulf %dot_general3A_25, %logistic3A_32 : vector<512x512xf32>
      %mul3A_33 = arith.mulf %mul3A, %dot_general3A_27 : vector<512x512xf32>
      %convert_element_type3A_34 = arith.truncf %mul3A_33 : vector<512x512xf32> to vector<512x512xbf16>
      %dot_general3A_35 = arith.constant dense<0.000000e+00> : vector<512x1024xf32>
      %dot_general3A_36 = tpu.matmul %convert_element_type3A_34, %convert_element_type3A_24, %dot_general3A_35 {dimension_numbers = #tpu.dot_dimension_numbers<[1], [1], [0], [0], [0, 0, 1, 0], [], []>, transpose_lhs_hint = false} : vector<512x512xbf16>, vector<1024x512xbf16>, vector<512x1024xf32> -> vector<512x1024xf32>
      %swap3A = arith.constant 0 : index
      %swap3A_37 = arith.constant 0 : index
      %swap3A_38 = vector.load %arg8[%swap3A, %swap3A_37] : memref<512x1024xf32, #tpu.memory_space<vmem>>, vector<512x1024xf32>
      tpu.vector_store %arg8[%swap3A, %swap3A_37], %dot_general3A_36 {strides = array<i32>} : memref<512x1024xf32, #tpu.memory_space<vmem>>, vector<512x1024xf32>,
    } else {
    }
    return
  }
  func.func @transform_0(%arg0: i32, %arg1: memref<16xi32, #tpu.memory_space<smem>>, %arg2: memref<16xi32, #tpu.memory_space<smem>>, %arg3: memref<16xi32, #tpu.memory_space<smem>>) -> (i32, i32) {
    %get3A = arith.index_cast %arg0 : i32 to index
    %get3A_0 = memref.load %arg2[%get3A] : memref<16xi32, #tpu.memory_space<smem>>
    %c0_i32 = arith.constant 0 : i32
    %c0_i32_1 = arith.constant 0 : i32
    return %get3A_0, %c0_i32 : i32, i32
  }
  func.func @transform_1(%arg0: i32, %arg1: memref<16xi32, #tpu.memory_space<smem>>, %arg2: memref<16xi32, #tpu.memory_space<smem>>, %arg3: memref<16xi32, #tpu.memory_space<smem>>) -> (i32, i32, i32) {
    %get3A = arith.index_cast %arg0 : i32 to index
    %get3A_0 = memref.load %arg1[%get3A] : memref<16xi32, #tpu.memory_space<smem>>
    %c0_i32 = arith.constant 0 : i32
    %c0_i32_1 = arith.constant 0 : i32
    %c0_i32_2 = arith.constant 0 : i32
    return %get3A_0, %c0_i32, %c0_i32_1 : i32, i32, i32
  }
  func.func @transform_2(%arg0: i32, %arg1: memref<16xi32, #tpu.memory_space<smem>>, %arg2: memref<16xi32, #tpu.memory_space<smem>>, %arg3: memref<16xi32, #tpu.memory_space<smem>>) -> (i32, i32, i32) {
    %get3A = arith.index_cast %arg0 : i32 to index
    %get3A_0 = memref.load %arg1[%get3A] : memref<16xi32, #tpu.memory_space<smem>>
    %c0_i32 = arith.constant 0 : i32
    %c0_i32_1 = arith.constant 0 : i32
    %c0_i32_2 = arith.constant 0 : i32
    return %get3A_0, %c0_i32, %c0_i32_1 : i32, i32, i32
  }
  func.func @transform_3(%arg0: i32, %arg1: memref<16xi32, #tpu.memory_space<smem>>, %arg2: memref<16xi32, #tpu.memory_space<smem>>, %arg3: memref<16xi32, #tpu.memory_space<smem>>) -> (i32, i32, i32) {
    %get3A = arith.index_cast %arg0 : i32 to index
    %get3A_0 = memref.load %arg1[%get3A] : memref<16xi32, #tpu.memory_space<smem>>
    %c0_i32 = arith.constant 0 : i32
    %c0_i32_1 = arith.constant 0 : i32
    %c0_i32_2 = arith.constant 0 : i32
    return %get3A_0, %c0_i32, %c0_i32_1 : i32, i32, i32
  }
  func.func @transform_4(%arg0: i32, %arg1: memref<16xi32, #tpu.memory_space<smem>>, %arg2: memref<16xi32, #tpu.memory_space<smem>>, %arg3: memref<16xi32, #tpu.memory_space<smem>>) -> (i32, i32) {
    %get3A = arith.index_cast %arg0 : i32 to index
    %get3A_0 = memref.load %arg2[%get3A] : memref<16xi32, #tpu.memory_space<smem>>
    %c0_i32 = arith.constant 0 : i32
    %c0_i32_1 = arith.constant 0 : i32
    return %get3A_0, %c0_i32 : i32, i32
  }
}

module attributes {stable_mosaic.version = 14 : i64} {
  func.func @_add_body(%arg0: i32, %arg1: memref<512x1024xf32, #tpu.memory_space<vmem>>, %arg2: memref<512x1024xf32, #tpu.memory_space<vmem>>, %arg3: memref<512x1024xbf16, #tpu.memory_space<vmem>>, %arg4: memref<512x16xf32, #tpu.memory_space<vmem>>, %arg5: memref<512x16xf32, #tpu.memory_space<vmem>>, %arg6: memref<512x1024xf32, #tpu.memory_space<vmem>>) attributes {dimension_semantics = [#tpu.dimension_semantics<arbitrary>], iteration_bounds = array<i64: 4>, scalar_prefetch = 0 : i64, scratch_operands = 0 : i64, tpu.core_type = #tpu.core_type<tc>, window_params = [{transform_indices = @transform_0, window_bounds = array<i64: 512, 1024>}, {transform_indices = @transform_1, window_bounds = array<i64: 512, 1024>}, {transform_indices = @transform_2, window_bounds = array<i64: 512, 1024>}, {transform_indices = @transform_3, window_bounds = array<i64: 512, 16>}, {transform_indices = @transform_4, window_bounds = array<i64: 512, 16>}, {transform_indices = @transform_5, window_bounds = array<i64: 512, 1024>}]} {
    %get3A = arith.constant 0 : index
    %get3A_0 = arith.constant 0 : index
    %get3A_1 = vector.load %arg4[%get3A, %get3A_0] : memref<512x16xf32, #tpu.memory_space<vmem>>, vector<512x16xf32>
    %slice3A = vector.extract_strided_slice %get3A_1 {offsets = [0, 0], sizes = [512, 1], strides = [1, 1]} : vector<512x16xf32> to vector<512x1xf32>
    %get3A_2 = arith.constant 0 : index
    %get3A_3 = arith.constant 0 : index
    %get3A_4 = vector.load %arg5[%get3A_2, %get3A_3] : memref<512x16xf32, #tpu.memory_space<vmem>>, vector<512x16xf32>
    %slice3A_5 = vector.extract_strided_slice %get3A_4 {offsets = [0, 0], sizes = [512, 1], strides = [1, 1]} : vector<512x16xf32> to vector<512x1xf32>
    %get3A_6 = arith.constant 0 : index
    %get3A_7 = arith.constant 0 : index
    %get3A_8 = vector.load %arg3[%get3A_6, %get3A_7] : memref<512x1024xbf16, #tpu.memory_space<vmem>>, vector<512x1024xbf16>
    %convert_element_type3A = arith.extf %get3A_8 : vector<512x1024xbf16> to vector<512x1024xf32>
    %get3A_9 = arith.constant 0 : index
    %get3A_10 = arith.constant 0 : index
    %get3A_11 = vector.load %arg1[%get3A_9, %get3A_10] : memref<512x1024xf32, #tpu.memory_space<vmem>>, vector<512x1024xf32>
    %mul3A = vector.broadcast %slice3A : vector<512x1xf32> to vector<512x1024xf32>
    %mul3A_12 = arith.mulf %mul3A, %get3A_11 : vector<512x1024xf32>
    %get3A_13 = arith.constant 0 : index
    %get3A_14 = arith.constant 0 : index
    %get3A_15 = vector.load %arg2[%get3A_13, %get3A_14] : memref<512x1024xf32, #tpu.memory_space<vmem>>, vector<512x1024xf32>
    %mul3A_16 = vector.broadcast %slice3A_5 : vector<512x1xf32> to vector<512x1024xf32>
    %mul3A_17 = arith.mulf %mul3A_16, %get3A_15 : vector<512x1024xf32>
    %add3A = arith.addf %mul3A_12, %mul3A_17 : vector<512x1024xf32>
    %add3A_18 = arith.addf %add3A, %convert_element_type3A : vector<512x1024xf32>
    %swap3A = arith.constant 0 : index
    %swap3A_19 = arith.constant 0 : index
    %swap3A_20 = vector.load %arg6[%swap3A, %swap3A_19] : memref<512x1024xf32, #tpu.memory_space<vmem>>, vector<512x1024xf32>
    tpu.vector_store %arg6[%swap3A, %swap3A_19], %add3A_18 {strides = array<i32>} : memref<512x1024xf32, #tpu.memory_space<vmem>>, vector<512x1024xf32>,
    return
  }
  func.func @transform_0(%arg0: i32) -> (i32, i32) {
    %c0_i32 = arith.constant 0 : i32
    %c0_i32_0 = arith.constant 0 : i32
    return %arg0, %c0_i32 : i32, i32
  }
  func.func @transform_1(%arg0: i32) -> (i32, i32) {
    %c0_i32 = arith.constant 0 : i32
    %c0_i32_0 = arith.constant 0 : i32
    return %arg0, %c0_i32 : i32, i32
  }
  func.func @transform_2(%arg0: i32) -> (i32, i32) {
    %c0_i32 = arith.constant 0 : i32
    %c0_i32_0 = arith.constant 0 : i32
    return %arg0, %c0_i32 : i32, i32
  }
  func.func @transform_3(%arg0: i32) -> (i32, i32) {
    %c0_i32 = arith.constant 0 : i32
    %c0_i32_0 = arith.constant 0 : i32
    return %arg0, %c0_i32 : i32, i32
  }
  func.func @transform_4(%arg0: i32) -> (i32, i32) {
    %c0_i32 = arith.constant 0 : i32
    %c0_i32_0 = arith.constant 0 : i32
    return %arg0, %c0_i32 : i32, i32
  }
  func.func @transform_5(%arg0: i32) -> (i32, i32) {
    %c0_i32 = arith.constant 0 : i32
    %c0_i32_0 = arith.constant 0 : i32
    return %arg0, %c0_i32 : i32, i32
  }
}

</mosaic_0001>

<sc_bundles>
// kernel: kernel.11.cloned.1.call-start
scs
__scs_entry_jumppad:
0x0: {  	(pc) =	sbr.rel $0x88, $3  }
0x1: {  	(tag) =	ssettag $0x0;
	lr =	simm.s32 $0x1  }
0x2: {  	[smem:$0x3F99] =	sst lr;
	_ =	strace $0xD0000000  }
0x3: {  	_ = 	snop  }
0x4: {  	_ = 	snop  }
0x5: {  	_ = 	snop  }
0x6: {  	_ = 	snop  }
0x7: {  	_ = 	snop  }
__scs_overlays_trampoline_lowered:
0x8: {  	[smem:$0x3FA8] =	sst s0  }
0x9: {  	[smem:$0x3FA9] =	sst s1  }
0xa: {  	[smem:$0x3FAA] =	sst s2  }
0xb: {  	[smem:$0x3FAB] =	sst s3  }
0xc: {  	[smem:$0x3FAC] =	sst s4  }
0xd: {  	[smem:$0x3FAD] =	sst s5  }
0xe: {  	[smem:$0x3FAE] =	sst s6  }
0xf: {  	[smem:$0x3FAF] =	sst s7  }
0x10: {  	[smem:$0x3FB0] =	sst s8  }
0x11: {  	[smem:$0x3FB1] =	sst s9;
	s0 =	simm.s32 @!p0 $0x0  }
0x12: {  	s1 =	sld [smem:$0x3F97];
	s0 =	simm.s32 @p0 $0x1  }
0x13: {  	[smem:$0x3FB2] =	sst s0;
	s0 =	simm.s32 @!p1 $0x0  }
0x14: {  	s2 =	sld [smem:$0x3F96];
	s0 =	simm.s32 @p1 $0x1  }
0x15: {  	[smem:$0x3FB3] =	sst s0;
	s0 =	simm.s32 @!p2 $0x0  }
0x16: {  	s3 =	sld [smem:$0x3FDB];
	s0 =	simm.s32 @p2 $0x1  }
0x17: {  	s4 =	simm.s32 $0x1BF5;
	[smem:$0x3FB5] =	sst s0  }
0x18: {  	s0 =	sld [smem:$0x3F98];
	_ =	swait.ge [sflag:s4], $0x0  }
0x19: {  	s7 =	sld [smem:$0x3F99]  }
0x1a: {  	s8 =	sadd.s32 $0xFFFFE003, lr  }
0x1b: {  	s9 =	sadd.s32 $0xFFFFFEF7, lr;
	s5 =	simm.s32 $0xFFFFFFFF;
	p2 =	slt.u32 s8, $0xFFFFF086  }
0x1c: {  	p1 =	slt.u32 s9, $0xF7A;
	s5 =	simm.s32 @!p2 $0x0  }
0x1d: {  	s5 =	simm.s32 @p1 $0x1;
	p0 =	seq.s32 s7, s2  }
0x1e: {  	s7 =	smul.u32 @!p0 $0xF7A, s2;
	p2 =	seq.s32 @!p0 s5, $0x0  }
0x1f: {  	s9 =	smul.u32 $0xF7A, s1;
	s8 =	simm.s32 @!p0 $0x1BF5;
	p2 =	por !p2, p0  }
0x20: {  	[sflag:s8] =	ssyncset.s32 @!p0 $0xFFFFF086;
	s6 =	sadd.s32 @!p0 s3, s7;
	s7 =	simm.s32 @!p0 $0x108  }
0x21: {  	s3 =	sadd.s32 s3, s9;
	s6 =	sadd.s32 @!p0 $0x88, s6;
	s7 =	simm.s32 @p2 $0x1082  }
0x22: {  	[simem:s7], [sflag:s8] =	dma.local @!p0 [hbm:s6], $0xF7A  }
0x23: {  	s9 =	sor.u32 $0xD0000000, s2;
	s6 =	simm.s32 $0x108;
	_ =	swait.ge @!p0 [sflag:s8], $0x0  }
0x24: {  	s3 =	sadd.s32 $0x88, s3;
	s6 =	simm.s32 @!p1 $0x1082;
	[sflag:s4] =	ssyncset.s32 $0xFFFFF086  }
0x25: {  	[simem:s6], [sflag:s4] =	dma.local [hbm:s3], $0xF7A  }
0x26: {  	[smem:$0x3F99] =	sst s1;
	(tag) =	ssettag s2;
	_ =	strace s9  }
0x27: {  	s1 =	sld [smem:$0x3FA9]  }
0x28: {  	s2 =	sld [smem:$0x3FAA]  }
0x29: {  	s4 =	sld [smem:$0x3FAC]  }
0x2a: {  	p0 =	seq.s32 s5, $0x0;
	s5 =	sld [smem:$0x3FAD]  }
0x2b: {  	s6 =	sld [smem:$0x3FAE]  }
0x2c: {  	s7 =	sld [smem:$0x3FAF]  }
0x2d: {  	s3 =	simm.s32 $0x108;
	s8 =	sld [smem:$0x3FB0]  }
0x2e: {  	s3 =	simm.s32 @!p0 $0x1082;
	s9 =	sld [smem:$0x3FB1]  }
0x2f: {  	lr =	sadd.s32 s0, s3;
	s0 =	sld [smem:$0x3FA8]  }
0x30: {  	s3 =	sld [smem:$0x3FAB]  }
0x31: {  	[smem:$0x3FB4] =	sst s10  }
0x32: {  	s10 =	sld [smem:$0x3FB2];
	_ =	sdelay $0x3  }
0x33: {  	p0 =	seq.s32 s10, $0x1;
	s10 =	sld [smem:$0x3FB4];
	_ =	sdelay $0x3  }
0x34: {  	[smem:$0x3FB4] =	sst s10  }
0x35: {  	s10 =	sld [smem:$0x3FB3];
	_ =	sdelay $0x3  }
0x36: {  	p1 =	seq.s32 s10, $0x1;
	s10 =	sld [smem:$0x3FB4];
	_ =	sdelay $0x3  }
0x37: {  	[smem:$0x3FB4] =	sst s10  }
0x38: {  	s10 =	sld [smem:$0x3FB5]  }
0x39: {  	_ = 	snop;
	(pc) =	sbr.ind lr, $3  }
0x3a: {  	_ = 	snop  }
0x3b: {  	_ = 	snop  }
0x3c: {  	p2 =	seq.s32 s10, $0x1;
	s10 =	sld [smem:$0x3FB4]  }
0x3d: {  	_ =	shalt  }
0x3e: {  	_ =	shalt  }
0x3f: {  	_ =	shalt  }
0x40: {  	_ =	shalt  }
0x41: {  	_ =	shalt  }
0x42: {  	_ =	shalt  }
0x43: {  	_ =	shalt  }
0x44: {  	_ =	shalt  }
0x45: {  	_ =	shalt  }
0x46: {  	_ =	shalt  }
0x47: {  	_ =	shalt  }
0x48: {  	_ =	shalt  }
0x49: {  	_ =	shalt  }
0x4a: {  	_ =	shalt  }
0x4b: {  	_ =	shalt  }
0x4c: {  	_ =	shalt  }
0x4d: {  	_ =	shalt  }
0x4e: {  	_ =	shalt  }
0x4f: {  	_ =	shalt  }
0x50: {  	_ =	shalt  }
0x51: {  	_ =	shalt  }
0x52: {  	_ =	shalt  }
0x53: {  	_ =	shalt  }
0x54: {  	_ =	shalt  }
0x55: {  	_ =	shalt  }
0x56: {  	_ =	shalt  }
0x57: {  	_ =	shalt  }
0x58: {  	_ =	shalt  }
0x59: {  	_ =	shalt  }
0x5a: {  	_ =	shalt  }
0x5b: {  	_ =	shalt  }
0x5c: {  	_ =	shalt  }
0x5d: {  	_ =	shalt  }
0x5e: {  	_ =	shalt  }
0x5f: {  	_ =	shalt  }
0x60: {  	_ =	shalt  }
0x61: {  	_ =	shalt  }
0x62: {  	_ =	shalt  }
0x63: {  	_ =	shalt  }
0x64: {  	_ =	shalt  }
0x65: {  	_ =	shalt  }
0x66: {  	_ =	shalt  }
0x67: {  	_ =	shalt  }
0x68: {  	_ =	shalt  }
0x69: {  	_ =	shalt  }
0x6a: {  	_ =	shalt  }
0x6b: {  	_ =	shalt  }
0x6c: {  	_ =	shalt  }
0x6d: {  	_ =	shalt  }
0x6e: {  	_ =	shalt  }
0x6f: {  	_ =	shalt  }
0x70: {  	_ =	shalt  }
0x71: {  	_ =	shalt  }
0x72: {  	_ =	shalt  }
0x73: {  	_ =	shalt  }
0x74: {  	_ =	shalt  }
0x75: {  	_ =	shalt  }
0x76: {  	_ =	shalt  }
0x77: {  	_ =	shalt  }
0x78: {  	_ =	shalt  }
0x79: {  	_ =	shalt  }
0x7a: {  	_ =	shalt  }
0x7b: {  	_ =	shalt  }
0x7c: {  	_ =	shalt  }
0x7d: {  	_ =	shalt  }
0x7e: {  	_ =	shalt  }
0x7f: {  	_ =	shalt  }
0x80: {  	_ =	shalt  }
0x81: {  	_ =	shalt  }
0x82: {  	_ =	shalt  }
0x83: {  	_ =	shalt  }
0x84: {  	_ =	shalt  }
0x85: {  	_ =	shalt  }
0x86: {  	_ =	shalt  }
0x87: {  	_ =	shalt  }
.Lfunc_end0:
.L_simem_size_0:
called_computation.1_lowered:
.L_overlay_start_0:
0x88: {  	s2 =	sld [smem:$0x3FD9]  }
0x89: {  	s3 =	sld [smem:$0x3FFE];
	_ =	sdelay $0x1  }
0x8a: {  	s1 =	srdreg.scid  }
0x8b: {  	s0 =	sand.u32 $0x1, s1  }
0x8c: {  	s14 =	sshll.u32 s0, $0xA;
	s2 =	sadd.s32 s3, s2  }
0x8d: {  	s2 =	sadd.s32 s2, s14  }
0x8e: {  	[smem:$0x3FC0] =	sst s2  }
0x8f: {  	_ = 	snop  }
0x90: {  	s2 =	sld [smem:$0x3FD0];
	_ =	sdelay $0x2  }
0x91: {  	s15 =	simm.s32 $0xA;
	s4 =	simm.s32 $0x10  }
0x92: {  	[smem:s4], [sflag:s15] =	dma.local [hbm:s2], $0x1  }
0x93: {  	_ =	swait.eq [sflag:s15], $0x1  }
0x94: {  	[sflag:s15] =	ssyncset.done $0x0  }
0x95: {  	[sflag:s15] =	ssyncadd.s32 $0xFFFFFFFF  }
0x96: {  	s16 =	sld [smem:$0x10];
	(tm) =	ssettm $0x1  }
0x97: {  	s17 =	sld [smem:$0x3FFB];
	_ =	sdelay $0x3  }
0x98: {  	_ =	strace s17  }
0x99: {  	s3 =	sld [smem:$0x3FFC];
	_ =	sdelay $0x3  }
0x9a: {  	_ =	strace s3  }
0x9b: {  	s3 =	sld [smem:$0x3FFD];
	_ =	sdelay $0x3  }
0x9c: {  	_ =	strace s3  }
0x9d: {  	_ =	strace $0x8FFFFFFF  }
0x9e: {  	s18 =	sld [smem:$0x3FDB];
	_ =	sdelay $0x1  }
0x9f: {  	s19 =	simm.s32 $_scs_section_size  }
0xa0: {  	s5 =	simm.s32 $_size__tile_overlayer_lowered;
	s6 =	simm.s32 $_tile_overlayer_lowered  }
0xa1: {  	s22 =	simm.s32 $0x1BFF;
	s21 =	sshll.u32 s6, $0x1;
	s3 =	sadd.s32 s19, s18  }
0xa2: {  	s7 =	simm.s32 $0x0;
	s20 =	sshll.u32 s5, $0x1;
	s5 =	sadd.s32 s21, s3  }
0xa3: {  	[timem:s7], [sflag:s22] =	dma.local [hbm:s5], s20  }
0xa4: {  	_ =	swait.ge [sflag:s22], s20  }
0xa5: {  	s4 =	ssub.s32 $0x0, s20;
	[sflag:s22] =	ssyncset.done $0x0  }
0xa6: {  	[sflag:s22] =	ssyncadd.s32 s4;
	_ =	sdelay $0x1  }
0xa7: {  	s23 =	simm.s32 $0x1B8B  }
0xa8: {  	_ =	swait.ge [sflag:s23], $0x1  }
0xa9: {  	[sflag:s23] =	ssyncset.done $0x0  }
0xaa: {  	s25 =	simm.s32 $0x1B8E;
	s24 =	sld [smem:$0x3FFE];
	[sflag:s23] =	ssyncadd.s32 $0xFFFFFFFF  }
0xab: {  	s26 =	simm.s32 $execute0_lowered;
	[smem:$0x3FD2] =	sst s25  }
0xac: {  	s5 =	sshll.u32 s26, $0x1;
	_ =	strace $0x80000049;
	[dreg:$0x1] =	wrdreg $0xFFFFFFFF  }
0xad: {  	s28 =	simm.s32 $_size_execute0_lowered;
	s3 =	sadd.s32 s3, s5;
	[dreg:$0x0] =	wrdreg $0x0  }
0xae: {  	s5 =	sshll.u32 s28, $0x1;
	[dreg:$0x2] =	wrdreg s3  }
0xaf: {  	[dreg:$0x3] =	wrdreg s5  }
0xb0: {  	[dreg:$0x4] =	wrdreg $0xC0  }
0xb1: {  	_ =	task [dreg:s7], $0x5FFFF  }
0xb2: {  	[dreg:$0x1] =	wrdreg $0xFFFFFFFF  }
0xb3: {  	[dreg:$0x0] =	wrdreg $0x60  }
0xb4: {  	[dreg:$0x2] =	wrdreg s24  }
0xb5: {  	[dreg:$0x3] =	wrdreg s16  }
0xb6: {  	[dreg:$0x4] =	wrdreg $0x9  }
0xb7: {  	_ =	task.clear_ibuf [dreg:s7], $0x5FFFF;
	_ =	strace $0x90000049  }
0xb8: {  	s29 =	simm.s32 $0x9;
	_ =	strace $0x8000004B  }
0xb9: {  	_ =	swait.ge [sflag:s29], $0x1  }
0xba: {  	[sflag:s29] =	ssyncadd.s32 $0xFFFFFFFF  }
0xbb: {  	_ =	strace $0x9000004B  }
0xbc: {  	_ =	sfence  }
0xbd: {  	s30 =	sld [smem:$0x0];
	_ =	sdelay $0x2  }
0xbe: {  	s31 =	sshll.u32 s1, $0xD;
	s1 =	sshrl.u32 s1, $0x2  }
0xbf: {  	s3 =	sand.u32 $0x4000, s31;
	s1 =	sadd.s32 s1, s30  }
0xc0: {  	s0 =	sor.u32 s3, s0;
	s1 =	sshll.u32 s1, $0x11  }
0xc1: {  	s0 =	sor.u32 s1, s0  }
0xc2: {  	s0 =	sadd.s32 $0x8F2B, s0  }
0xc3: {  	[sflag:s0] =	ssyncadd.remote.s32 $0x1  }
0xc4: {  	_ =	sfence.sel $0xFFFF  }
0xc5: {  	[dreg:$0x0] =	wrdreg $0xFFFFFFFF;
	(pc) =	sbr.abs _section_cstart, $3  }
0xc6: {  	[dreg:$0x1] =	wrdreg $0xFFFFFFFF  }
0xc7: {  	_ =	task.clear_ibuf [dreg:s7], $0x2FFFF;
	_ =	strace $0x9FFFFFFF  }
0xc8: {  	(tm) =	ssettm $0x7FFFFFFF  }
0xc9: {  	_ =	shalt  }
tec
execute0_lowered:
.L_overlay_start_1:
0x0: {  	(tag) =	ssettag $0x1  }
0x1: {  	s1 =	srdreg.scid  }
0x2: {  	s2 =	stileid.u32;
	s1 =	sand.u32 $0x1, s1  }
0x3: {  	s0 =	rddreg [dreg:$0x0];
	s2 =	sshll.u32 s2, $0x7;
	s3 =	sshll.u32 s1, $0x6  }
0x4: {  	s4 =	rddreg [dreg:$0x1];
	s5 =	sor.u32 s3, s2;
	s2 =	simm.s32 $0x0  }
0x5: {  	s11 =	simm.s32 $0x18000;
	[smem:$0x7FF] =	sst s2  }
0x6: {  	s12 =	simm.s32 $0x18080;
	_ =	strace $0x8000004A;
	[dreg:$0xa] =	wrdreg s11  }
0x7: {  	s13 =	simm.s32 $0x18100;
	[dreg:$0xb] =	wrdreg s12  }
0x8: {  	s14 =	simm.s32 $0x18180;
	[dreg:$0xc] =	wrdreg s13  }
0x9: {  	s15 =	simm.s32 $0x8800;
	[dreg:$0xd] =	wrdreg s14  }
0xa: {  	s16 =	simm.s32 $0x9000;
	[dreg:$0xe] =	wrdreg s15  }
0xb: {  	s17 =	simm.s32 $0x9800;
	[dreg:$0xf] =	wrdreg s16  }
0xc: {  	s18 =	simm.s32 $0xA000;
	[dreg:$0x10] =	wrdreg s17  }
0xd: {  	s19 =	simm.s32 $0xA800;
	[dreg:$0x11] =	wrdreg s18  }
0xe: {  	s20 =	simm.s32 $0xB000;
	s21 =	simm.s32 $0xB800;
	[dreg:$0x12] =	wrdreg s19  }
0xf: {  	s22 =	simm.s32 $0xC000;
	s24 =	simm.s32 $0xC800;
	[dreg:$0x13] =	wrdreg s20  }
0x10: {  	s6 =	sadd.s32 $0x2E00, s0;
	s1 =	ssub.s32 $0x2, s1;
	[dreg:$0x14] =	wrdreg s21  }
0x11: {  	s23 =	sshrl.u32 s1, $0x1;
	s3 =	sshrl.u32 s5, $0x3;
	[dreg:$0x15] =	wrdreg s22  }
0x12: {  	s1 =	ssub.s32 s1, s23;
	s23 =	simm.s32 $0x16000;
	[dreg:$0x16] =	wrdreg s24  }
0x13: {  	s30 =	simm.s32 $0x4;
	s3 =	sadd.s32 s6, s3;
	[smem:$0x7FA] =	sst s23  }
0x14: {  	s31 =	simm.s32 $0x3;
	s11 =	simm.s32 $0xF800;
	[smem:$0x7F1] =	sst s3  }
0x15: {  	s28 =	simm.s32 $0x8000;
	s12 =	simm.s32 $0x10800;
	[dreg:$0x1c] =	wrdreg s11  }
0x16: {  	s29 =	simm.s32 $0x10000;
	s13 =	simm.s32 $0x11000;
	[dreg:$0x1d] =	wrdreg s12  }
0x17: {  	s26 =	sadd.s32 $0x3000, s0;
	s14 =	simm.s32 $0x11800;
	[dreg:$0x1e] =	wrdreg s13  }
0x18: {  	s7 =	sor.u32 $0x20, s5;
	s15 =	simm.s32 $0x12000;
	[dreg:$0x1f] =	wrdreg s14  }
0x19: {  	s5 =	sshll.u32 s5, $0x7;
	s16 =	simm.s32 $0x12800;
	[smem:$0x7F2] =	sst s15  }
0x1a: {  	s9 =	sshrl.u32 s7, $0x3;
	s17 =	simm.s32 $0x13000;
	[smem:$0x7F3] =	sst s16  }
0x1b: {  	s18 =	simm.s32 $0x13800;
	s19 =	simm.s32 $0x14000;
	[smem:$0x7F4] =	sst s17  }
0x1c: {  	s20 =	simm.s32 $0x14800;
	s21 =	simm.s32 $0x15000;
	[smem:$0x7F5] =	sst s18  }
0x1d: {  	s22 =	simm.s32 $0x15800;
	s24 =	simm.s32 $0x16800;
	[smem:$0x7F6] =	sst s19  }
0x1e: {  	s23 =	simm.s32 $0x6800;
	s8 =	sadd.s32 $0x100, s3;
	[smem:$0x7F7] =	sst s20  }
0x1f: {  	s6 =	sadd.s32 s6, s9;
	s25 =	sadd.s32 $0x104, s3;
	[smem:$0x7F8] =	sst s21  }
0x20: {  	s3 =	sadd.s32 s4, s5;
	s5 =	sadd.s32 s26, s5;
	[smem:$0x7F9] =	sst s22  }
0x21: {  	s9 =	sshll.u32 s7, $0x7;
	s7 =	sadd.s32 $0x103300, s0;
	[smem:$0x7FB] =	sst s24  }
0x22: {  	s11 =	simm.s32 $0x800;
	s12 =	simm.s32 $0x1000;
	s13 =	simm.s32 $0x1800  }
0x23: {  	s14 =	simm.s32 $0x2000;
	s15 =	simm.s32 $0x2800;
	[dreg:$0x3] =	wrdreg s8  }
0x24: {  	s16 =	simm.s32 $0x3000;
	s17 =	simm.s32 $0x3800;
	[dreg:$0x4] =	wrdreg s6  }
0x25: {  	s18 =	simm.s32 $0x4000;
	s19 =	simm.s32 $0x4800;
	[dreg:$0x5] =	wrdreg s25  }
0x26: {  	s20 =	simm.s32 $0x5000;
	s21 =	simm.s32 $0x5800;
	[dreg:$0x6] =	wrdreg s3  }
0x27: {  	s22 =	simm.s32 $0x6000;
	[dreg:$0x7] =	wrdreg s5;
	s4 =	sadd.s32 s4, s9  }
0x28: {  	s24 =	simm.s32 $0x7000;
	s10 =	sadd.s32 s26, s9;
	[dreg:$0x8] =	wrdreg s4  }
0x29: {  	s25 =	simm.s32 $0xD000;
	s5 =	sadd.s32 $0x103100, s0;
	[dreg:$0x9] =	wrdreg s10  }
0x2a: {  	s26 =	simm.s32 $0xD800;
	s6 =	sadd.s32 $0x103200, s0;
	[dreg:$0x17] =	wrdreg s25  }
0x2b: {  	s3 =	simm.s32 $0xE000;
	s9 =	simm.s32 $0xE800;
	[dreg:$0x18] =	wrdreg s26  }
0x2c: {  	s8 =	smax.u32 s1, $0x1;
	s1 =	simm.s32 $0x5;
	[dreg:$0x19] =	wrdreg s3  }
0x2d: {  	s4 =	sadd.s32 $0x103000, s0;
	[dreg:$0x1a] =	wrdreg s9;
	s10 =	simm.s32 $0xF000  }
0x2e: {  	v2 =	vlaneseq.u32;
	s9 =	simm.s32 $0x7;
	s25 =	simm.s32 $0x17000;
	[dreg:$0x1b] =	wrdreg s10  }
0x2f: {  	vm0 =	vmmov $0xffff;
	v1 =	vshrl.u32 v2, $0x3;
	s26 =	simm.s32 $0x17800;
	s0 =	simm.s32 $0x6;
	[smem:$0x7FC] =	sst s25  }
0x30: {  	v0 =	vand.u32 $0x7, v2;
	v2 =	vor.u32 $0x8, v2;
	v1 =	vmul.u32 $0x8, v1;
	[smem:$0x7FD] =	sst s26;
	s26 =	simm.s32 $0x1;
	s25 =	simm.s32 $0x7800  }
.LBB2_1:
0x31: {  	s10 =	sld [smem:$0x7F1];
	_ =	sdelay $0x1  }
0x32: {  	s3 =	rddreg [dreg:$0xa]  }
0x33: {  	[tilespmem:s3], [sflag:$0x7] =	stream.linear.gather [hbm4b:s10+s2], $0x20, $0x38;
	[tilespmem:$0x18200] =	vst v63  }
0x34: {  	_ =	swait.ge [sflag:s9], $0x20  }
0x35: {  	s3 =	rddreg [dreg:$0x3];
	[sflag:s9] =	ssyncset.done $0x0  }
0x36: {  	s10 =	rddreg [dreg:$0xb];
	[sflag:s9] =	ssyncadd.s32 $0xFFFFFFE0  }
0x37: {  	[tilespmem:s10], [sflag:$0x7] =	stream.linear.gather [hbm4b:s3+s2], $0x20, $0x38;
	[tilespmem:$0x18200] =	vst v63  }
0x38: {  	_ =	swait.ge [sflag:s9], $0x20  }
0x39: {  	s3 =	rddreg [dreg:$0x4];
	[sflag:s9] =	ssyncset.done $0x0  }
0x3a: {  	s10 =	rddreg [dreg:$0xc];
	[sflag:s9] =	ssyncadd.s32 $0xFFFFFFE0  }
0x3b: {  	[tilespmem:s10], [sflag:$0x7] =	stream.linear.gather [hbm4b:s3+s2], $0x20, $0x38;
	[tilespmem:$0x18200] =	vst v63  }
0x3c: {  	_ =	swait.ge [sflag:s9], $0x20  }
0x3d: {  	s3 =	rddreg [dreg:$0x5];
	[sflag:s9] =	ssyncset.done $0x0  }
0x3e: {  	s10 =	rddreg [dreg:$0xd];
	[sflag:s9] =	ssyncadd.s32 $0xFFFFFFE0  }
0x3f: {  	[tilespmem:s10], [sflag:$0x7] =	stream.linear.gather [hbm4b:s3+s2], $0x20, $0x38;
	[tilespmem:$0x18200] =	vst v63  }
0x40: {  	_ =	swait.ge [sflag:s9], $0x20  }
0x41: {  	[sflag:s9] =	ssyncset.done $0x0  }
0x42: {  	[sflag:s9] =	ssyncadd.s32 $0xFFFFFFE0  }
0x43: {  	v3 =	vld [tilespmem:$0x18000];
	_ =	sdelay $0x4  }
0x44: {  	v4 =	vshll.u32 v3, $0x3  }
0x45: {  	v3 =	vand.u32 $0x7, v3;
	v4 =	vand.u32 $0xFFFFFFC0, v4  }
0x46: {  	v3 =	vor.u32 v3, v4  }
0x47: {  	v4 =	vperm.xlane v3, v0;
	_ =	sdelay $0x1  }
0x48: {  	v4 =	vadd.s32 v1, v4;
	_ =	sdelay $0x4  }
0x49: {  	[tilespmem:s2], [sflag:$0x1] =	stream.indirect_vreg.gather [hbm4b:s4+s2], $0x80, v4, vm0, $0xb8;
	[tilespmem:$0x18200] =	vst v63  }
0x4a: {  	v3 =	vperm.xlane v3, v2  }
0x4b: {  	[tilespmem:s11], [sflag:$0x1] =	stream.indirect_vreg.gather [hbm4b:s5+s2], $0x80, v4, vm0, $0xb8;
	[tilespmem:$0x18200] =	vst v63  }
0x4c: {  	v3 =	vadd.s32 v1, v3  }
0x4d: {  	[tilespmem:s12], [sflag:$0x1] =	stream.indirect_vreg.gather [hbm4b:s6+s2], $0x80, v4, vm0, $0xb8;
	[tilespmem:$0x18200] =	vst v63  }
0x4e: {  	_ = 	snop  }
0x4f: {  	[tilespmem:s13], [sflag:$0x1] =	stream.indirect_vreg.gather [hbm4b:s7+s2], $0x80, v4, vm0, $0xb8;
	[tilespmem:$0x18200] =	vst v63  }
0x50: {  	_ = 	snop  }
0x51: {  	[tilespmem:s14], [sflag:$0x1] =	stream.indirect_vreg.gather [hbm4b:s4+s2], $0x80, v3, vm0, $0xb8;
	[tilespmem:$0x18200] =	vst v63  }
0x52: {  	_ = 	snop  }
0x53: {  	[tilespmem:s15], [sflag:$0x1] =	stream.indirect_vreg.gather [hbm4b:s5+s2], $0x80, v3, vm0, $0xb8;
	[tilespmem:$0x18200] =	vst v63  }
0x54: {  	_ = 	snop  }
0x55: {  	[tilespmem:s16], [sflag:$0x1] =	stream.indirect_vreg.gather [hbm4b:s6+s2], $0x80, v3, vm0, $0xb8;
	[tilespmem:$0x18200] =	vst v63  }
0x56: {  	_ = 	snop  }
0x57: {  	[tilespmem:s17], [sflag:$0x1] =	stream.indirect_vreg.gather [hbm4b:s7+s2], $0x80, v3, vm0, $0xb8;
	[tilespmem:$0x18200] =	vst v63  }
0x58: {  	v3 =	vld [tilespmem:$0x18010];
	_ =	sdelay $0x4  }
0x59: {  	v57 =	vshll.u32 v3, $0x3  }
0x5a: {  	v3 =	vand.u32 $0x7, v3;
	v4 =	vand.u32 $0xFFFFFFC0, v57  }
0x5b: {  	v3 =	vor.u32 v3, v4  }
0x5c: {  	v4 =	vperm.xlane v3, v0;
	_ =	sdelay $0x1  }
0x5d: {  	v4 =	vadd.s32 v1, v4;
	_ =	sdelay $0x4  }
0x5e: {  	[tilespmem:s18], [sflag:$0x1] =	stream.indirect_vreg.gather [hbm4b:s4+s2], $0x80, v4, vm0, $0xb8;
	[tilespmem:$0x18200] =	vst v63  }
0x5f: {  	v3 =	vperm.xlane v3, v2  }
0x60: {  	[tilespmem:s19], [sflag:$0x1] =	stream.indirect_vreg.gather [hbm4b:s5+s2], $0x80, v4, vm0, $0xb8;
	[tilespmem:$0x18200] =	vst v63  }
0x61: {  	v3 =	vadd.s32 v1, v3  }
0x62: {  	[tilespmem:s20], [sflag:$0x1] =	stream.indirect_vreg.gather [hbm4b:s6+s2], $0x80, v4, vm0, $0xb8;
	[tilespmem:$0x18200] =	vst v63  }
0x63: {  	_ = 	snop  }
0x64: {  	[tilespmem:s21], [sflag:$0x1] =	stream.indirect_vreg.gather [hbm4b:s7+s2], $0x80, v4, vm0, $0xb8;
	[tilespmem:$0x18200] =	vst v63  }
0x65: {  	_ = 	snop  }
0x66: {  	[tilespmem:s22], [sflag:$0x1] =	stream.indirect_vreg.gather [hbm4b:s4+s2], $0x80, v3, vm0, $0xb8;
	[tilespmem:$0x18200] =	vst v63  }
0x67: {  	_ = 	snop  }
0x68: {  	[tilespmem:s23], [sflag:$0x1] =	stream.indirect_vreg.gather [hbm4b:s5+s2], $0x80, v3, vm0, $0xb8;
	[tilespmem:$0x18200] =	vst v63  }
0x69: {  	_ = 	snop  }
0x6a: {  	[tilespmem:s24], [sflag:$0x1] =	stream.indirect_vreg.gather [hbm4b:s6+s2], $0x80, v3, vm0, $0xb8;
	[tilespmem:$0x18200] =	vst v63  }
0x6b: {  	_ = 	snop  }
0x6c: {  	[tilespmem:s25], [sflag:$0x1] =	stream.indirect_vreg.gather [hbm4b:s7+s2], $0x80, v3, vm0, $0xb8;
	[tilespmem:$0x18200] =	vst v63  }
0x6d: {  	v3 =	vld [tilespmem:$0x18080];
	_ =	sdelay $0x4  }
0x6e: {  	v58 =	vshll.u32 v3, $0x3  }
0x6f: {  	v3 =	vand.u32 $0x7, v3;
	v4 =	vand.u32 $0xFFFFFFC0, v58  }
0x70: {  	v3 =	vor.u32 v3, v4  }
0x71: {  	v4 =	vperm.xlane v3, v0;
	_ =	sdelay $0x1  }
0x72: {  	v4 =	vadd.s32 v1, v4;
	_ =	sdelay $0x4  }
0x73: {  	[tilespmem:s28], [sflag:$0x2] =	stream.indirect_vreg.gather [hbm4b:s4+s2], $0x80, v4, vm0, $0xb8;
	[tilespmem:$0x18200] =	vst v63  }
0x74: {  	s3 =	rddreg [dreg:$0xe];
	v3 =	vperm.xlane v3, v2  }
0x75: {  	[tilespmem:s3], [sflag:$0x2] =	stream.indirect_vreg.gather [hbm4b:s5+s2], $0x80, v4, vm0, $0xb8;
	[tilespmem:$0x18200] =	vst v63  }
0x76: {  	s10 =	rddreg [dreg:$0xf];
	v3 =	vadd.s32 v1, v3  }
0x77: {  	[tilespmem:s10], [sflag:$0x2] =	stream.indirect_vreg.gather [hbm4b:s6+s2], $0x80, v4, vm0, $0xb8;
	[tilespmem:$0x18200] =	vst v63  }
0x78: {  	s3 =	rddreg [dreg:$0x10]  }
0x79: {  	[tilespmem:s3], [sflag:$0x2] =	stream.indirect_vreg.gather [hbm4b:s7+s2], $0x80, v4, vm0, $0xb8;
	[tilespmem:$0x18200] =	vst v63  }
0x7a: {  	s10 =	rddreg [dreg:$0x11]  }
0x7b: {  	[tilespmem:s10], [sflag:$0x2] =	stream.indirect_vreg.gather [hbm4b:s4+s2], $0x80, v3, vm0, $0xb8;
	[tilespmem:$0x18200] =	vst v63  }
0x7c: {  	s3 =	rddreg [dreg:$0x12]  }
0x7d: {  	[tilespmem:s3], [sflag:$0x2] =	stream.indirect_vreg.gather [hbm4b:s5+s2], $0x80, v3, vm0, $0xb8;
	[tilespmem:$0x18200] =	vst v63  }
0x7e: {  	s10 =	rddreg [dreg:$0x13]  }
0x7f: {  	[tilespmem:s10], [sflag:$0x2] =	stream.indirect_vreg.gather [hbm4b:s6+s2], $0x80, v3, vm0, $0xb8;
	[tilespmem:$0x18200] =	vst v63  }
0x80: {  	s3 =	rddreg [dreg:$0x14]  }
0x81: {  	[tilespmem:s3], [sflag:$0x2] =	stream.indirect_vreg.gather [hbm4b:s7+s2], $0x80, v3, vm0, $0xb8;
	[tilespmem:$0x18200] =	vst v63  }
0x82: {  	v3 =	vld [tilespmem:$0x18090];
	_ =	sdelay $0x4  }
0x83: {  	v59 =	vshll.u32 v3, $0x3  }
0x84: {  	v3 =	vand.u32 $0x7, v3;
	v4 =	vand.u32 $0xFFFFFFC0, v59  }
0x85: {  	v3 =	vor.u32 v3, v4  }
0x86: {  	v4 =	vperm.xlane v3, v0;
	_ =	sdelay $0x1  }
0x87: {  	v4 =	vadd.s32 v1, v4;
	_ =	sdelay $0x3  }
0x88: {  	s3 =	rddreg [dreg:$0x15]  }
0x89: {  	[tilespmem:s3], [sflag:$0x2] =	stream.indirect_vreg.gather [hbm4b:s4+s2], $0x80, v4, vm0, $0xb8;
	[tilespmem:$0x18200] =	vst v63  }
0x8a: {  	s10 =	rddreg [dreg:$0x16];
	v3 =	vperm.xlane v3, v2  }
0x8b: {  	[tilespmem:s10], [sflag:$0x2] =	stream.indirect_vreg.gather [hbm4b:s5+s2], $0x80, v4, vm0, $0xb8;
	[tilespmem:$0x18200] =	vst v63  }
0x8c: {  	v3 =	vadd.s32 v1, v3;
	s3 =	rddreg [dreg:$0x17]  }
0x8d: {  	[tilespmem:s3], [sflag:$0x2] =	stream.indirect_vreg.gather [hbm4b:s6+s2], $0x80, v4, vm0, $0xb8;
	[tilespmem:$0x18200] =	vst v63  }
0x8e: {  	s10 =	rddreg [dreg:$0x18]  }
0x8f: {  	[tilespmem:s10], [sflag:$0x2] =	stream.indirect_vreg.gather [hbm4b:s7+s2], $0x80, v4, vm0, $0xb8;
	[tilespmem:$0x18200] =	vst v63  }
0x90: {  	s3 =	rddreg [dreg:$0x19]  }
0x91: {  	[tilespmem:s3], [sflag:$0x2] =	stream.indirect_vreg.gather [hbm4b:s4+s2], $0x80, v3, vm0, $0xb8;
	[tilespmem:$0x18200] =	vst v63  }
0x92: {  	s10 =	rddreg [dreg:$0x1a]  }
0x93: {  	[tilespmem:s10], [sflag:$0x2] =	stream.indirect_vreg.gather [hbm4b:s5+s2], $0x80, v3, vm0, $0xb8;
	[tilespmem:$0x18200] =	vst v63  }
0x94: {  	s3 =	rddreg [dreg:$0x1b]  }
0x95: {  	[tilespmem:s3], [sflag:$0x2] =	stream.indirect_vreg.gather [hbm4b:s6+s2], $0x80, v3, vm0, $0xb8;
	[tilespmem:$0x18200] =	vst v63  }
0x96: {  	s10 =	rddreg [dreg:$0x1c]  }
0x97: {  	[tilespmem:s10], [sflag:$0x2] =	stream.indirect_vreg.gather [hbm4b:s7+s2], $0x80, v3, vm0, $0xb8;
	[tilespmem:$0x18200] =	vst v63  }
0x98: {  	_ =	swait.ge [sflag:s26], $0x8000  }
0x99: {  	[sflag:s26] =	ssyncset.done $0x0  }
0x9a: {  	s10 =	rddreg [dreg:$0x6];
	[sflag:s26] =	ssyncadd.s32 $0xFFFF8000  }
0x9b: {  	[hbm4b:s10+s2] =	stream.linear.scatter [tilespmem:s2], [sflag:$0x4], $0x8000, $0x38;
	[tilespmem:$0x18200] =	vst v63  }
0x9c: {  	v3 =	vld [tilespmem:$0x18100];
	_ =	sdelay $0x4  }
0x9d: {  	v60 =	vshll.u32 v3, $0x3  }
0x9e: {  	v3 =	vand.u32 $0x7, v3;
	v4 =	vand.u32 $0xFFFFFFC0, v60  }
0x9f: {  	v3 =	vor.u32 v3, v4  }
0xa0: {  	v4 =	vperm.xlane v3, v0;
	_ =	sdelay $0x1  }
0xa1: {  	v4 =	vadd.s32 v1, v4;
	_ =	sdelay $0x3  }
0xa2: {  	s3 =	rddreg [dreg:$0x1d]  }
0xa3: {  	[tilespmem:s29], [sflag:$0x3] =	stream.indirect_vreg.gather [hbm4b:s4+s2], $0x80, v4, vm0, $0xb8;
	[tilespmem:$0x18200] =	vst v63  }
0xa4: {  	s10 =	rddreg [dreg:$0x1e];
	v3 =	vperm.xlane v3, v2  }
0xa5: {  	[tilespmem:s3], [sflag:$0x3] =	stream.indirect_vreg.gather [hbm4b:s5+s2], $0x80, v4, vm0, $0xb8;
	[tilespmem:$0x18200] =	vst v63  }
0xa6: {  	v3 =	vadd.s32 v1, v3;
	s3 =	rddreg [dreg:$0x1f]  }
0xa7: {  	[tilespmem:s10], [sflag:$0x3] =	stream.indirect_vreg.gather [hbm4b:s6+s2], $0x80, v4, vm0, $0xb8;
	[tilespmem:$0x18200] =	vst v63  }
0xa8: {  	s10 =	sld [smem:$0x7F2]  }
0xa9: {  	[tilespmem:s3], [sflag:$0x3] =	stream.indirect_vreg.gather [hbm4b:s7+s2], $0x80, v4, vm0, $0xb8;
	[tilespmem:$0x18200] =	vst v63  }
0xaa: {  	s3 =	sld [smem:$0x7F3]  }
0xab: {  	[tilespmem:s10], [sflag:$0x3] =	stream.indirect_vreg.gather [hbm4b:s4+s2], $0x80, v3, vm0, $0xb8;
	[tilespmem:$0x18200] =	vst v63  }
0xac: {  	s10 =	sld [smem:$0x7F4]  }
0xad: {  	[tilespmem:s3], [sflag:$0x3] =	stream.indirect_vreg.gather [hbm4b:s5+s2], $0x80, v3, vm0, $0xb8;
	[tilespmem:$0x18200] =	vst v63  }
0xae: {  	s3 =	sld [smem:$0x7F5]  }
0xaf: {  	[tilespmem:s10], [sflag:$0x3] =	stream.indirect_vreg.gather [hbm4b:s6+s2], $0x80, v3, vm0, $0xb8;
	[tilespmem:$0x18200] =	vst v63  }
0xb0: {  	_ = 	snop  }
0xb1: {  	[tilespmem:s3], [sflag:$0x3] =	stream.indirect_vreg.gather [hbm4b:s7+s2], $0x80, v3, vm0, $0xb8;
	[tilespmem:$0x18200] =	vst v63  }
0xb2: {  	v3 =	vld [tilespmem:$0x18110];
	_ =	sdelay $0x4  }
0xb3: {  	v61 =	vshll.u32 v3, $0x3  }
0xb4: {  	v3 =	vand.u32 $0x7, v3;
	v4 =	vand.u32 $0xFFFFFFC0, v61  }
0xb5: {  	v3 =	vor.u32 v3, v4  }
0xb6: {  	v4 =	vperm.xlane v3, v0;
	_ =	sdelay $0x1  }
0xb7: {  	v4 =	vadd.s32 v1, v4;
	_ =	sdelay $0x1  }
0xb8: {  	s3 =	sld [smem:$0x7F6];
	_ =	sdelay $0x1  }
0xb9: {  	s10 =	sld [smem:$0x7F7]  }
0xba: {  	[tilespmem:s3], [sflag:$0x3] =	stream.indirect_vreg.gather [hbm4b:s4+s2], $0x80, v4, vm0, $0xb8;
	[tilespmem:$0x18200] =	vst v63  }
0xbb: {  	v3 =	vperm.xlane v3, v2;
	s3 =	sld [smem:$0x7F8]  }
0xbc: {  	[tilespmem:s10], [sflag:$0x3] =	stream.indirect_vreg.gather [hbm4b:s5+s2], $0x80, v4, vm0, $0xb8;
	[tilespmem:$0x18200] =	vst v63  }
0xbd: {  	v3 =	vadd.s32 v1, v3;
	s10 =	sld [smem:$0x7F9]  }
0xbe: {  	[tilespmem:s3], [sflag:$0x3] =	stream.indirect_vreg.gather [hbm4b:s6+s2], $0x80, v4, vm0, $0xb8;
	[tilespmem:$0x18200] =	vst v63  }
0xbf: {  	s3 =	sld [smem:$0x7FA]  }
0xc0: {  	[tilespmem:s10], [sflag:$0x3] =	stream.indirect_vreg.gather [hbm4b:s7+s2], $0x80, v4, vm0, $0xb8;
	[tilespmem:$0x18200] =	vst v63  }
0xc1: {  	s10 =	sld [smem:$0x7FB]  }
0xc2: {  	[tilespmem:s3], [sflag:$0x3] =	stream.indirect_vreg.gather [hbm4b:s4+s2], $0x80, v3, vm0, $0xb8;
	[tilespmem:$0x18200] =	vst v63  }
0xc3: {  	s3 =	sld [smem:$0x7FC]  }
0xc4: {  	[tilespmem:s10], [sflag:$0x3] =	stream.indirect_vreg.gather [hbm4b:s5+s2], $0x80, v3, vm0, $0xb8;
	[tilespmem:$0x18200] =	vst v63  }
0xc5: {  	s10 =	sld [smem:$0x7FD]  }
0xc6: {  	[tilespmem:s3], [sflag:$0x3] =	stream.indirect_vreg.gather [hbm4b:s6+s2], $0x80, v3, vm0, $0xb8;
	[tilespmem:$0x18200] =	vst v63  }
0xc7: {  	_ = 	snop  }
0xc8: {  	[tilespmem:s10], [sflag:$0x3] =	stream.indirect_vreg.gather [hbm4b:s7+s2], $0x80, v3, vm0, $0xb8;
	[tilespmem:$0x18200] =	vst v63  }
0xc9: {  	s10 =	simm.s32 $0x2  }
0xca: {  	_ =	swait.ge [sflag:s10], $0x8000  }
0xcb: {  	[sflag:s10] =	ssyncset.done $0x0  }
0xcc: {  	s3 =	rddreg [dreg:$0x7];
	[sflag:s10] =	ssyncadd.s32 $0xFFFF8000  }
0xcd: {  	[hbm4b:s3+s2] =	stream.linear.scatter [tilespmem:s28], [sflag:$0x5], $0x8000, $0x38;
	[tilespmem:$0x18200] =	vst v63  }
0xce: {  	_ =	swait.ge [sflag:s30], $0x8000  }
0xcf: {  	[sflag:s30] =	ssyncset.done $0x0  }
0xd0: {  	[sflag:s30] =	ssyncadd.s32 $0xFFFF8000  }
0xd1: {  	v3 =	vld [tilespmem:$0x18180];
	_ =	sdelay $0x4  }
0xd2: {  	v62 =	vshll.u32 v3, $0x3  }
0xd3: {  	v3 =	vand.u32 $0x7, v3;
	v4 =	vand.u32 $0xFFFFFFC0, v62  }
0xd4: {  	v3 =	vor.u32 v3, v4  }
0xd5: {  	v4 =	vperm.xlane v3, v0;
	_ =	sdelay $0x1  }
0xd6: {  	v4 =	vadd.s32 v1, v4;
	_ =	sdelay $0x4  }
0xd7: {  	[tilespmem:s2], [sflag:$0x1] =	stream.indirect_vreg.gather [hbm4b:s4+s2], $0x80, v4, vm0, $0xb8;
	[tilespmem:$0x18200] =	vst v63  }
0xd8: {  	v3 =	vperm.xlane v3, v2  }
0xd9: {  	[tilespmem:s11], [sflag:$0x1] =	stream.indirect_vreg.gather [hbm4b:s5+s2], $0x80, v4, vm0, $0xb8;
	[tilespmem:$0x18200] =	vst v63  }
0xda: {  	v3 =	vadd.s32 v1, v3  }
0xdb: {  	[tilespmem:s12], [sflag:$0x1] =	stream.indirect_vreg.gather [hbm4b:s6+s2], $0x80, v4, vm0, $0xb8;
	[tilespmem:$0x18200] =	vst v63  }
0xdc: {  	_ = 	snop  }
0xdd: {  	[tilespmem:s13], [sflag:$0x1] =	stream.indirect_vreg.gather [hbm4b:s7+s2], $0x80, v4, vm0, $0xb8;
	[tilespmem:$0x18200] =	vst v63  }
0xde: {  	_ = 	snop  }
0xdf: {  	[tilespmem:s14], [sflag:$0x1] =	stream.indirect_vreg.gather [hbm4b:s4+s2], $0x80, v3, vm0, $0xb8;
	[tilespmem:$0x18200] =	vst v63  }
0xe0: {  	_ = 	snop  }
0xe1: {  	[tilespmem:s15], [sflag:$0x1] =	stream.indirect_vreg.gather [hbm4b:s5+s2], $0x80, v3, vm0, $0xb8;
	[tilespmem:$0x18200] =	vst v63  }
0xe2: {  	_ = 	snop  }
0xe3: {  	[tilespmem:s16], [sflag:$0x1] =	stream.indirect_vreg.gather [hbm4b:s6+s2], $0x80, v3, vm0, $0xb8;
	[tilespmem:$0x18200] =	vst v63  }
0xe4: {  	_ = 	snop  }
0xe5: {  	[tilespmem:s17], [sflag:$0x1] =	stream.indirect_vreg.gather [hbm4b:s7+s2], $0x80, v3, vm0, $0xb8;
	[tilespmem:$0x18200] =	vst v63  }
0xe6: {  	v3 =	vld [tilespmem:$0x18190];
	_ =	sdelay $0x4  }
0xe7: {  	v63 =	vshll.u32 v3, $0x3  }
0xe8: {  	v3 =	vand.u32 $0x7, v3;
	v4 =	vand.u32 $0xFFFFFFC0, v63  }
0xe9: {  	v3 =	vor.u32 v3, v4  }
0xea: {  	v4 =	vperm.xlane v3, v0;
	_ =	sdelay $0x1  }
0xeb: {  	v4 =	vadd.s32 v1, v4;
	_ =	sdelay $0x4  }
0xec: {  	[tilespmem:s18], [sflag:$0x1] =	stream.indirect_vreg.gather [hbm4b:s4+s2], $0x80, v4, vm0, $0xb8;
	[tilespmem:$0x18200] =	vst v63  }
0xed: {  	v3 =	vperm.xlane v3, v2  }
0xee: {  	[tilespmem:s19], [sflag:$0x1] =	stream.indirect_vreg.gather [hbm4b:s5+s2], $0x80, v4, vm0, $0xb8;
	[tilespmem:$0x18200] =	vst v63  }
0xef: {  	v3 =	vadd.s32 v1, v3  }
0xf0: {  	[tilespmem:s20], [sflag:$0x1] =	stream.indirect_vreg.gather [hbm4b:s6+s2], $0x80, v4, vm0, $0xb8;
	[tilespmem:$0x18200] =	vst v63  }
0xf1: {  	_ = 	snop  }
0xf2: {  	[tilespmem:s21], [sflag:$0x1] =	stream.indirect_vreg.gather [hbm4b:s7+s2], $0x80, v4, vm0, $0xb8;
	[tilespmem:$0x18200] =	vst v63  }
0xf3: {  	_ = 	snop  }
0xf4: {  	[tilespmem:s22], [sflag:$0x1] =	stream.indirect_vreg.gather [hbm4b:s4+s2], $0x80, v3, vm0, $0xb8;
	[tilespmem:$0x18200] =	vst v63  }
0xf5: {  	_ = 	snop  }
0xf6: {  	[tilespmem:s23], [sflag:$0x1] =	stream.indirect_vreg.gather [hbm4b:s5+s2], $0x80, v3, vm0, $0xb8;
	[tilespmem:$0x18200] =	vst v63  }
0xf7: {  	_ = 	snop  }
0xf8: {  	[tilespmem:s24], [sflag:$0x1] =	stream.indirect_vreg.gather [hbm4b:s6+s2], $0x80, v3, vm0, $0xb8;
	[tilespmem:$0x18200] =	vst v63  }
0xf9: {  	_ = 	snop  }
0xfa: {  	[tilespmem:s25], [sflag:$0x1] =	stream.indirect_vreg.gather [hbm4b:s7+s2], $0x80, v3, vm0, $0xb8;
	[tilespmem:$0x18200] =	vst v63  }
0xfb: {  	_ =	swait.ge [sflag:s31], $0x8000  }
0xfc: {  	[sflag:s31] =	ssyncset.done $0x0  }
0xfd: {  	s10 =	rddreg [dreg:$0x8];
	[sflag:s31] =	ssyncadd.s32 $0xFFFF8000  }
0xfe: {  	[hbm4b:s10+s2] =	stream.linear.scatter [tilespmem:s29], [sflag:$0x6], $0x8000, $0x38;
	[tilespmem:$0x18200] =	vst v63  }
0xff: {  	_ =	swait.ge [sflag:s26], $0x8000  }
0x100: {  	[sflag:s26] =	ssyncset.done $0x0  }
0x101: {  	s10 =	rddreg [dreg:$0x9];
	[sflag:s26] =	ssyncadd.s32 $0xFFFF8000  }
0x102: {  	[hbm4b:s10+s2] =	stream.linear.scatter [tilespmem:s2], [sflag:$0x4], $0x8000, $0x38;
	[tilespmem:$0x18200] =	vst v63  }
0x103: {  	_ =	swait.ge [sflag:s1], $0x8000  }
0x104: {  	[sflag:s1] =	ssyncset.done $0x0  }
0x105: {  	[sflag:s1] =	ssyncadd.s32 $0xFFFF8000  }
0x106: {  	p0 =	sne.s32 s8, $0x1;
	_ =	swait.ge [sflag:s0], $0x8000  }
.Ltmp0:
0x107: {  	[sflag:s0] =	ssyncset.done $0x0;
	(pc) =	sbr.rel @p0 .LBB2_1-.Ltmp0, $4  }
0x108: {  	[sflag:s0] =	ssyncadd.s32 $0xFFFF8000  }
0x109: {  	_ =	swait.ge [sflag:s30], $0x8000  }
0x10a: {  	[sflag:s30] =	ssyncset.done $0x0  }
0x10b: {  	s8 =	sadd.s32 $0xFFFFFFFF, s8;
	[sflag:s30] =	ssyncadd.s32 $0xFFFF8000  }
0x10c: {  	_ =	sfence.sel $0x180000  }
0x10d: {  	[bflag:$0x0] =	sbarrier.arrive $0xFFFF  }
0x10e: {  	_ =	strace $0x9000004A  }
0x10f: {  	s0 =	stileid.u32;
	[bflag:$0x2] =	sbarrier.arrive $0xFFFF  }
0x110: {  	p0 =	sne.s32 s0, $0x0;
	s0 =	rddreg [dreg:$0x2]  }
0x111: {  	s0 =	sadd.s32 @!p0 $0x100000, s0  }
0x112: {  	[sflag:s0] =	ssyncadd.tile.s32 @!p0 $0x1;
	_ =	shalt  }
.Lfunc_end2:
_tile_overlayer_lowered:
.L_overlay_start_2:
0x113: {  	(tag) =	ssettag $0x2  }
0x114: {  	s0 =	rddreg [dreg:$0x0];
	s2 =	stileid.u32  }
0x115: {  	s1 =	rddreg [dreg:$0x1];
	p0 =	sne.s32 s2, $0x0  }
0x116: {  	s3 =	rddreg [dreg:$0x2];
	[bflag:$0x3] =	sbarrier.arrive $0xFFFF;
	s2 =	simm.s32 @!p0 $0x1C07  }
0x117: {  	[timem:s3], [sflag:s2] =	dma.local @!p0 [hbm:s0], s1  }
0x118: {  	s0 =	simm.s32 @!p0 $0x7  }
0x119: {  	_ =	swait.ge @!p0 [sflag:s0], s1  }
0x11a: {  	s1 =	ssub.s32 @!p0 $0x0, s1;
	[sflag:s0] =	ssyncset.done @!p0 $0x0  }
0x11b: {  	[sflag:s0] =	ssyncadd.s32 @!p0 s1  }
0x11c: {  	[bflag:$0x3] =	sbarrier.arrive $0xFFFF  }
0x11d: {  	_ =	shalt  }

// kernel: kernel.8.cloned.1.call-start
scs
__scs_entry_jumppad:
0x0: {  	(pc) =	sbr.rel $0x88, $3  }
0x1: {  	(tag) =	ssettag $0x0;
	lr =	simm.s32 $0x1  }
0x2: {  	[smem:$0x3F99] =	sst lr;
	_ =	strace $0xD0000000  }
0x3: {  	_ = 	snop  }
0x4: {  	_ = 	snop  }
0x5: {  	_ = 	snop  }
0x6: {  	_ = 	snop  }
0x7: {  	_ = 	snop  }
__scs_overlays_trampoline_lowered:
0x8: {  	[smem:$0x3FA8] =	sst s0  }
0x9: {  	[smem:$0x3FA9] =	sst s1  }
0xa: {  	[smem:$0x3FAA] =	sst s2  }
0xb: {  	[smem:$0x3FAB] =	sst s3  }
0xc: {  	[smem:$0x3FAC] =	sst s4  }
0xd: {  	[smem:$0x3FAD] =	sst s5  }
0xe: {  	[smem:$0x3FAE] =	sst s6  }
0xf: {  	[smem:$0x3FAF] =	sst s7  }
0x10: {  	[smem:$0x3FB0] =	sst s8  }
0x11: {  	[smem:$0x3FB1] =	sst s9;
	s0 =	simm.s32 @!p0 $0x0  }
0x12: {  	s1 =	sld [smem:$0x3F97];
	s0 =	simm.s32 @p0 $0x1  }
0x13: {  	[smem:$0x3FB2] =	sst s0;
	s0 =	simm.s32 @!p1 $0x0  }
0x14: {  	s2 =	sld [smem:$0x3F96];
	s0 =	simm.s32 @p1 $0x1  }
0x15: {  	[smem:$0x3FB3] =	sst s0;
	s0 =	simm.s32 @!p2 $0x0  }
0x16: {  	s3 =	sld [smem:$0x3FDB];
	s0 =	simm.s32 @p2 $0x1  }
0x17: {  	s4 =	simm.s32 $0x1BF5;
	[smem:$0x3FB5] =	sst s0  }
0x18: {  	s0 =	sld [smem:$0x3F98];
	_ =	swait.ge [sflag:s4], $0x0  }
0x19: {  	s7 =	sld [smem:$0x3F99]  }
0x1a: {  	s8 =	sadd.s32 $0xFFFFE003, lr  }
0x1b: {  	s9 =	sadd.s32 $0xFFFFFEF7, lr;
	s5 =	simm.s32 $0xFFFFFFFF;
	p2 =	slt.u32 s8, $0xFFFFF086  }
0x1c: {  	p1 =	slt.u32 s9, $0xF7A;
	s5 =	simm.s32 @!p2 $0x0  }
0x1d: {  	s5 =	simm.s32 @p1 $0x1;
	p0 =	seq.s32 s7, s2  }
0x1e: {  	s7 =	smul.u32 @!p0 $0xF7A, s2;
	p2 =	seq.s32 @!p0 s5, $0x0  }
0x1f: {  	s9 =	smul.u32 $0xF7A, s1;
	s8 =	simm.s32 @!p0 $0x1BF5;
	p2 =	por !p2, p0  }
0x20: {  	[sflag:s8] =	ssyncset.s32 @!p0 $0xFFFFF086;
	s6 =	sadd.s32 @!p0 s3, s7;
	s7 =	simm.s32 @!p0 $0x108  }
0x21: {  	s3 =	sadd.s32 s3, s9;
	s6 =	sadd.s32 @!p0 $0x88, s6;
	s7 =	simm.s32 @p2 $0x1082  }
0x22: {  	[simem:s7], [sflag:s8] =	dma.local @!p0 [hbm:s6], $0xF7A  }
0x23: {  	s9 =	sor.u32 $0xD0000000, s2;
	s6 =	simm.s32 $0x108;
	_ =	swait.ge @!p0 [sflag:s8], $0x0  }
0x24: {  	s3 =	sadd.s32 $0x88, s3;
	s6 =	simm.s32 @!p1 $0x1082;
	[sflag:s4] =	ssyncset.s32 $0xFFFFF086  }
0x25: {  	[simem:s6], [sflag:s4] =	dma.local [hbm:s3], $0xF7A  }
0x26: {  	[smem:$0x3F99] =	sst s1;
	(tag) =	ssettag s2;
	_ =	strace s9  }
0x27: {  	s1 =	sld [smem:$0x3FA9]  }
0x28: {  	s2 =	sld [smem:$0x3FAA]  }
0x29: {  	s4 =	sld [smem:$0x3FAC]  }
0x2a: {  	p0 =	seq.s32 s5, $0x0;
	s5 =	sld [smem:$0x3FAD]  }
0x2b: {  	s6 =	sld [smem:$0x3FAE]  }
0x2c: {  	s7 =	sld [smem:$0x3FAF]  }
0x2d: {  	s3 =	simm.s32 $0x108;
	s8 =	sld [smem:$0x3FB0]  }
0x2e: {  	s3 =	simm.s32 @!p0 $0x1082;
	s9 =	sld [smem:$0x3FB1]  }
0x2f: {  	lr =	sadd.s32 s0, s3;
	s0 =	sld [smem:$0x3FA8]  }
0x30: {  	s3 =	sld [smem:$0x3FAB]  }
0x31: {  	[smem:$0x3FB4] =	sst s10  }
0x32: {  	s10 =	sld [smem:$0x3FB2];
	_ =	sdelay $0x3  }
0x33: {  	p0 =	seq.s32 s10, $0x1;
	s10 =	sld [smem:$0x3FB4];
	_ =	sdelay $0x3  }
0x34: {  	[smem:$0x3FB4] =	sst s10  }
0x35: {  	s10 =	sld [smem:$0x3FB3];
	_ =	sdelay $0x3  }
0x36: {  	p1 =	seq.s32 s10, $0x1;
	s10 =	sld [smem:$0x3FB4];
	_ =	sdelay $0x3  }
0x37: {  	[smem:$0x3FB4] =	sst s10  }
0x38: {  	s10 =	sld [smem:$0x3FB5]  }
0x39: {  	_ = 	snop;
	(pc) =	sbr.ind lr, $3  }
0x3a: {  	_ = 	snop  }
0x3b: {  	_ = 	snop  }
0x3c: {  	p2 =	seq.s32 s10, $0x1;
	s10 =	sld [smem:$0x3FB4]  }
0x3d: {  	_ =	shalt  }
0x3e: {  	_ =	shalt  }
0x3f: {  	_ =	shalt  }
0x40: {  	_ =	shalt  }
0x41: {  	_ =	shalt  }
0x42: {  	_ =	shalt  }
0x43: {  	_ =	shalt  }
0x44: {  	_ =	shalt  }
0x45: {  	_ =	shalt  }
0x46: {  	_ =	shalt  }
0x47: {  	_ =	shalt  }
0x48: {  	_ =	shalt  }
0x49: {  	_ =	shalt  }
0x4a: {  	_ =	shalt  }
0x4b: {  	_ =	shalt  }
0x4c: {  	_ =	shalt  }
0x4d: {  	_ =	shalt  }
0x4e: {  	_ =	shalt  }
0x4f: {  	_ =	shalt  }
0x50: {  	_ =	shalt  }
0x51: {  	_ =	shalt  }
0x52: {  	_ =	shalt  }
0x53: {  	_ =	shalt  }
0x54: {  	_ =	shalt  }
0x55: {  	_ =	shalt  }
0x56: {  	_ =	shalt  }
0x57: {  	_ =	shalt  }
0x58: {  	_ =	shalt  }
0x59: {  	_ =	shalt  }
0x5a: {  	_ =	shalt  }
0x5b: {  	_ =	shalt  }
0x5c: {  	_ =	shalt  }
0x5d: {  	_ =	shalt  }
0x5e: {  	_ =	shalt  }
0x5f: {  	_ =	shalt  }
0x60: {  	_ =	shalt  }
0x61: {  	_ =	shalt  }
0x62: {  	_ =	shalt  }
0x63: {  	_ =	shalt  }
0x64: {  	_ =	shalt  }
0x65: {  	_ =	shalt  }
0x66: {  	_ =	shalt  }
0x67: {  	_ =	shalt  }
0x68: {  	_ =	shalt  }
0x69: {  	_ =	shalt  }
0x6a: {  	_ =	shalt  }
0x6b: {  	_ =	shalt  }
0x6c: {  	_ =	shalt  }
0x6d: {  	_ =	shalt  }
0x6e: {  	_ =	shalt  }
0x6f: {  	_ =	shalt  }
0x70: {  	_ =	shalt  }
0x71: {  	_ =	shalt  }
0x72: {  	_ =	shalt  }
0x73: {  	_ =	shalt  }
0x74: {  	_ =	shalt  }
0x75: {  	_ =	shalt  }
0x76: {  	_ =	shalt  }
0x77: {  	_ =	shalt  }
0x78: {  	_ =	shalt  }
0x79: {  	_ =	shalt  }
0x7a: {  	_ =	shalt  }
0x7b: {  	_ =	shalt  }
0x7c: {  	_ =	shalt  }
0x7d: {  	_ =	shalt  }
0x7e: {  	_ =	shalt  }
0x7f: {  	_ =	shalt  }
0x80: {  	_ =	shalt  }
0x81: {  	_ =	shalt  }
0x82: {  	_ =	shalt  }
0x83: {  	_ =	shalt  }
0x84: {  	_ =	shalt  }
0x85: {  	_ =	shalt  }
0x86: {  	_ =	shalt  }
0x87: {  	_ =	shalt  }
.Lfunc_end0:
.L_simem_size_0:
called_computation_lowered:
.L_overlay_start_0:
0x88: {  	s2 =	sld [smem:$0x3FD9]  }
0x89: {  	s3 =	sld [smem:$0x3FFE];
	_ =	sdelay $0x1  }
0x8a: {  	s1 =	srdreg.scid  }
0x8b: {  	s0 =	sand.u32 $0x1, s1  }
0x8c: {  	s17 =	sshll.u32 s0, $0xA;
	s2 =	sadd.s32 s3, s2  }
0x8d: {  	s2 =	sadd.s32 s2, s17  }
0x8e: {  	[smem:$0x3FC0] =	sst s2  }
0x8f: {  	_ = 	snop  }
0x90: {  	s2 =	sld [smem:$0x3FC9];
	(tm) =	ssettm $0x1  }
0x91: {  	s18 =	sld [smem:$0x3FFB];
	_ =	sdelay $0x3  }
0x92: {  	_ =	strace s18  }
0x93: {  	s3 =	sld [smem:$0x3FFC];
	_ =	sdelay $0x3  }
0x94: {  	_ =	strace s3  }
0x95: {  	s3 =	sld [smem:$0x3FFD];
	_ =	sdelay $0x3  }
0x96: {  	_ =	strace s3  }
0x97: {  	_ =	strace $0x8FFFFFFF  }
0x98: {  	s19 =	sld [smem:$0x3FDB];
	_ =	sdelay $0x1  }
0x99: {  	s4 =	simm.s32 $_scs_section_size  }
0x9a: {  	s5 =	simm.s32 $_size__tile_overlayer_lowered;
	s6 =	simm.s32 $_tile_overlayer_lowered  }
0x9b: {  	s22 =	simm.s32 $0x1BFF;
	s21 =	sshll.u32 s6, $0x1;
	s3 =	sadd.s32 s4, s19  }
0x9c: {  	s7 =	simm.s32 $0x0;
	s20 =	sshll.u32 s5, $0x1;
	s5 =	sadd.s32 s21, s3  }
0x9d: {  	[timem:s7], [sflag:s22] =	dma.local [hbm:s5], s20  }
0x9e: {  	_ =	swait.ge [sflag:s22], s20  }
0x9f: {  	s4 =	ssub.s32 $0x0, s20;
	[sflag:s22] =	ssyncset.done $0x0  }
0xa0: {  	[sflag:s22] =	ssyncadd.s32 s4;
	_ =	sdelay $0x1  }
0xa1: {  	s23 =	simm.s32 $0x1B8B  }
0xa2: {  	_ =	swait.ge [sflag:s23], $0x1  }
0xa3: {  	[sflag:s23] =	ssyncset.done $0x0  }
0xa4: {  	s25 =	simm.s32 $0x1B8E;
	s24 =	sld [smem:$0x3FFE];
	[sflag:s23] =	ssyncadd.s32 $0xFFFFFFFF  }
0xa5: {  	s26 =	simm.s32 $execute0_lowered;
	[smem:$0x3FD2] =	sst s25  }
0xa6: {  	s5 =	sshll.u32 s26, $0x1;
	_ =	strace $0x80000046;
	[dreg:$0x1] =	wrdreg $0xFFFFFFFF  }
0xa7: {  	s28 =	simm.s32 $_size_execute0_lowered;
	s3 =	sadd.s32 s3, s5;
	[dreg:$0x0] =	wrdreg $0x0  }
0xa8: {  	s5 =	sshll.u32 s28, $0x1;
	[dreg:$0x2] =	wrdreg s3  }
0xa9: {  	[dreg:$0x3] =	wrdreg s5  }
0xaa: {  	[dreg:$0x4] =	wrdreg $0xC0  }
0xab: {  	_ =	task [dreg:s7], $0x5FFFF  }
0xac: {  	[dreg:$0x1] =	wrdreg $0xFFFFFFFF  }
0xad: {  	[dreg:$0x0] =	wrdreg $0x60  }
0xae: {  	[dreg:$0x2] =	wrdreg s2  }
0xaf: {  	[dreg:$0x3] =	wrdreg s24  }
0xb0: {  	[dreg:$0x4] =	wrdreg $0x9  }
0xb1: {  	_ =	task.clear_ibuf [dreg:s7], $0x5FFFF;
	_ =	strace $0x90000046  }
0xb2: {  	s29 =	simm.s32 $0x9;
	_ =	strace $0x80000048  }
0xb3: {  	_ =	swait.ge [sflag:s29], $0x1  }
0xb4: {  	[sflag:s29] =	ssyncadd.s32 $0xFFFFFFFF  }
0xb5: {  	_ =	strace $0x90000048  }
0xb6: {  	_ =	sfence  }
0xb7: {  	s30 =	sld [smem:$0x0];
	_ =	sdelay $0x2  }
0xb8: {  	s31 =	sshll.u32 s1, $0xD;
	s1 =	sshrl.u32 s1, $0x2  }
0xb9: {  	s3 =	sand.u32 $0x4000, s31;
	s1 =	sadd.s32 s1, s30  }
0xba: {  	s0 =	sor.u32 s3, s0;
	s1 =	sshll.u32 s1, $0x11  }
0xbb: {  	s0 =	sor.u32 s1, s0  }
0xbc: {  	s0 =	sadd.s32 $0x8F2B, s0  }
0xbd: {  	[sflag:s0] =	ssyncadd.remote.s32 $0x1  }
0xbe: {  	_ =	sfence.sel $0xFFFF  }
0xbf: {  	[dreg:$0x0] =	wrdreg $0xFFFFFFFF;
	(pc) =	sbr.abs _section_cstart, $3  }
0xc0: {  	[dreg:$0x1] =	wrdreg $0xFFFFFFFF  }
0xc1: {  	_ =	task.clear_ibuf [dreg:s7], $0x2FFFF;
	_ =	strace $0x9FFFFFFF  }
0xc2: {  	(tm) =	ssettm $0x7FFFFFFF  }
0xc3: {  	_ =	shalt  }
tec
execute0_lowered:
.L_overlay_start_1:
0x0: {  	(tag) =	ssettag $0x1  }
0x1: {  	s0 =	rddreg [dreg:$0x0]  }
0x2: {  	s1 =	rddreg [dreg:$0x1];
	s2 =	simm.s32 $0x0  }
0x3: {  	s3 =	srdreg.scid;
	s5 =	stileid.u32;
	s23 =	simm.s32 $0x10000  }
0x4: {  	s24 =	simm.s32 $0x10080;
	s25 =	simm.s32 $0x10100;
	s26 =	simm.s32 $0x10180  }
0x5: {  	s10 =	simm.s32 $0x4;
	s11 =	simm.s32 $0x1;
	s28 =	simm.s32 $0x2  }
0x6: {  	s16 =	simm.s32 $0xD800;
	s29 =	simm.s32 $0x3000;
	s30 =	simm.s32 $0x3800  }
0x7: {  	s31 =	simm.s32 $0x4000;
	[smem:$0x7FF] =	sst s2;
	s4 =	sand.u32 $0x1, s3  }
0x8: {  	s5 =	sshll.u32 s5, $0x7;
	_ =	strace $0x80000047;
	[dreg:$0x8] =	wrdreg s23  }
0x9: {  	s7 =	sadd.s32 $0x2E00, s1;
	s3 =	sadd.s32 $0x3000, s1;
	[dreg:$0x9] =	wrdreg s24  }
0xa: {  	s6 =	sshll.u32 s4, $0x6;
	s4 =	ssub.s32 $0x2, s4;
	[dreg:$0xa] =	wrdreg s25  }
0xb: {  	[dreg:$0xb] =	wrdreg s26;
	s25 =	simm.s32 $0x2000;
	s5 =	sor.u32 s6, s5  }
0xc: {  	s26 =	simm.s32 $0x2800;
	s20 =	sshrl.u32 s4, $0x1;
	s6 =	sor.u32 $0x20, s5  }
0xd: {  	s8 =	sshll.u32 s5, $0x7;
	s5 =	sshrl.u32 s5, $0x3;
	s4 =	ssub.s32 s4, s20  }
0xe: {  	s20 =	simm.s32 $0xF800;
	s8 =	sadd.s32 s0, s8;
	s9 =	sshll.u32 s6, $0x7  }
0xf: {  	s17 =	sadd.s32 s7, s5;
	s19 =	sshrl.u32 s6, $0x3;
	s5 =	sadd.s32 $0x3100, s1  }
0x10: {  	s6 =	sadd.s32 $0x3200, s1;
	[dreg:$0x3] =	wrdreg s8;
	s0 =	sadd.s32 s0, s9  }
0x11: {  	s18 =	sadd.s32 $0x100, s17;
	s21 =	sadd.s32 s7, s19;
	[dreg:$0xc] =	wrdreg s17  }
0x12: {  	s22 =	sadd.s32 $0x104, s17;
	s7 =	sadd.s32 $0x3300, s1;
	[dreg:$0x4] =	wrdreg s0  }
0x13: {  	v2 =	vlaneseq.u32;
	s8 =	smax.u32 s4, $0x1;
	s9 =	simm.s32 $0x8000;
	[dreg:$0x5] =	wrdreg s18  }
0x14: {  	vm0 =	vmmov $0xffff;
	v1 =	vshrl.u32 v2, $0x3;
	s17 =	simm.s32 $0xE000;
	s19 =	simm.s32 $0xF000;
	[dreg:$0x6] =	wrdreg s21  }
0x15: {  	v0 =	vand.u32 $0x7, v2;
	v2 =	vor.u32 $0x8, v2;
	v1 =	vmul.u32 $0x8, v1;
	[dreg:$0x7] =	wrdreg s22;
	s18 =	simm.s32 $0xE800;
	s21 =	simm.s32 $0x3  }
.LBB2_1:
0x16: {  	s22 =	rddreg [dreg:$0x3]  }
0x17: {  	s23 =	rddreg [dreg:$0x4]  }
0x18: {  	[tilespmem:s2], [sflag:$0x1] =	stream.linear.gather [hbm4b:s22+s2], $0x8000, $0x38;
	[tilespmem:$0x10200] =	vst v63  }
0x19: {  	s1 =	rddreg [dreg:$0x8]  }
0x1a: {  	[tilespmem:s9], [sflag:$0x2] =	stream.linear.gather [hbm4b:s23+s2], $0x8000, $0x38;
	[tilespmem:$0x10200] =	vst v63  }
0x1b: {  	s4 =	rddreg [dreg:$0xc]  }
0x1c: {  	[tilespmem:s1], [sflag:$0x4] =	stream.linear.gather [hbm4b:s4+s2], $0x20, $0x38;
	[tilespmem:$0x10200] =	vst v63  }
0x1d: {  	_ =	swait.ge [sflag:s10], $0x20  }
0x1e: {  	s12 =	rddreg [dreg:$0x5];
	[sflag:s10] =	ssyncset.done $0x0  }
0x1f: {  	s13 =	rddreg [dreg:$0x9];
	[sflag:s10] =	ssyncadd.s32 $0xFFFFFFE0  }
0x20: {  	[tilespmem:s13], [sflag:$0x4] =	stream.linear.gather [hbm4b:s12+s2], $0x20, $0x38;
	[tilespmem:$0x10200] =	vst v63  }
0x21: {  	_ =	swait.ge [sflag:s10], $0x20  }
0x22: {  	s14 =	rddreg [dreg:$0x6];
	[sflag:s10] =	ssyncset.done $0x0  }
0x23: {  	s15 =	rddreg [dreg:$0xa];
	[sflag:s10] =	ssyncadd.s32 $0xFFFFFFE0  }
0x24: {  	[tilespmem:s15], [sflag:$0x4] =	stream.linear.gather [hbm4b:s14+s2], $0x20, $0x38;
	[tilespmem:$0x10200] =	vst v63  }
0x25: {  	_ =	swait.ge [sflag:s10], $0x20  }
0x26: {  	s23 =	rddreg [dreg:$0x7];
	[sflag:s10] =	ssyncset.done $0x0  }
0x27: {  	s24 =	rddreg [dreg:$0xb];
	[sflag:s10] =	ssyncadd.s32 $0xFFFFFFE0  }
0x28: {  	[tilespmem:s24], [sflag:$0x4] =	stream.linear.gather [hbm4b:s23+s2], $0x20, $0x38;
	[tilespmem:$0x10200] =	vst v63  }
0x29: {  	_ =	swait.ge [sflag:s10], $0x20  }
0x2a: {  	[sflag:s10] =	ssyncset.done $0x0  }
0x2b: {  	[sflag:s10] =	ssyncadd.s32 $0xFFFFFFE0  }
0x2c: {  	_ =	swait.ge [sflag:s11], $0x8000  }
0x2d: {  	[sflag:s11] =	ssyncset.done $0x0  }
0x2e: {  	[sflag:s11] =	ssyncadd.s32 $0xFFFF8000  }
0x2f: {  	v3 =	vld [tilespmem:$0x10000];
	_ =	sdelay $0x4  }
0x30: {  	v4 =	vshll.u32 v3, $0x3  }
0x31: {  	v3 =	vand.u32 $0x7, v3;
	v4 =	vand.u32 $0xFFFFFFC0, v4  }
0x32: {  	v3 =	vor.u32 v3, v4  }
0x33: {  	v4 =	vperm.xlane v3, v0;
	_ =	sdelay $0x1  }
0x34: {  	v4 =	vadd.s32 v1, v4;
	_ =	sdelay $0x4  }
0x35: {  	[hbm4b:s3+s2] =	stream.indirect_vreg.scatter [tilespmem:s2], [sflag:$0x3], $0x80, v4, vm0, $0xb8;
	[tilespmem:$0x10200] =	vst v63  }
0x36: {  	s22 =	simm.s32 $0x800;
	v3 =	vperm.xlane v3, v2  }
0x37: {  	[hbm4b:s5+s2] =	stream.indirect_vreg.scatter [tilespmem:s22], [sflag:$0x3], $0x80, v4, vm0, $0xb8;
	[tilespmem:$0x10200] =	vst v63  }
0x38: {  	s23 =	simm.s32 $0x1000;
	v3 =	vadd.s32 v1, v3  }
0x39: {  	[hbm4b:s6+s2] =	stream.indirect_vreg.scatter [tilespmem:s23], [sflag:$0x3], $0x80, v4, vm0, $0xb8;
	[tilespmem:$0x10200] =	vst v63  }
0x3a: {  	s24 =	simm.s32 $0x1800  }
0x3b: {  	[hbm4b:s7+s2] =	stream.indirect_vreg.scatter [tilespmem:s24], [sflag:$0x3], $0x80, v4, vm0, $0xb8;
	[tilespmem:$0x10200] =	vst v63  }
0x3c: {  	_ = 	snop  }
0x3d: {  	[hbm4b:s3+s2] =	stream.indirect_vreg.scatter [tilespmem:s25], [sflag:$0x3], $0x80, v3, vm0, $0xb8;
	[tilespmem:$0x10200] =	vst v63  }
0x3e: {  	_ = 	snop  }
0x3f: {  	[hbm4b:s5+s2] =	stream.indirect_vreg.scatter [tilespmem:s26], [sflag:$0x3], $0x80, v3, vm0, $0xb8;
	[tilespmem:$0x10200] =	vst v63  }
0x40: {  	_ = 	snop  }
0x41: {  	[hbm4b:s6+s2] =	stream.indirect_vreg.scatter [tilespmem:s29], [sflag:$0x3], $0x80, v3, vm0, $0xb8;
	[tilespmem:$0x10200] =	vst v63  }
0x42: {  	_ = 	snop  }
0x43: {  	[hbm4b:s7+s2] =	stream.indirect_vreg.scatter [tilespmem:s30], [sflag:$0x3], $0x80, v3, vm0, $0xb8;
	[tilespmem:$0x10200] =	vst v63  }
0x44: {  	v3 =	vld [tilespmem:$0x10010];
	_ =	sdelay $0x4  }
0x45: {  	v57 =	vshll.u32 v3, $0x3  }
0x46: {  	v3 =	vand.u32 $0x7, v3;
	v4 =	vand.u32 $0xFFFFFFC0, v57  }
0x47: {  	v3 =	vor.u32 v3, v4  }
0x48: {  	v4 =	vperm.xlane v3, v0;
	_ =	sdelay $0x1  }
0x49: {  	v4 =	vadd.s32 v1, v4;
	_ =	sdelay $0x4  }
0x4a: {  	[hbm4b:s3+s2] =	stream.indirect_vreg.scatter [tilespmem:s31], [sflag:$0x3], $0x80, v4, vm0, $0xb8;
	[tilespmem:$0x10200] =	vst v63  }
0x4b: {  	s0 =	simm.s32 $0x4800;
	v3 =	vperm.xlane v3, v2  }
0x4c: {  	[hbm4b:s5+s2] =	stream.indirect_vreg.scatter [tilespmem:s0], [sflag:$0x3], $0x80, v4, vm0, $0xb8;
	[tilespmem:$0x10200] =	vst v63  }
0x4d: {  	s1 =	simm.s32 $0x5000;
	v3 =	vadd.s32 v1, v3  }
0x4e: {  	[hbm4b:s6+s2] =	stream.indirect_vreg.scatter [tilespmem:s1], [sflag:$0x3], $0x80, v4, vm0, $0xb8;
	[tilespmem:$0x10200] =	vst v63  }
0x4f: {  	s4 =	simm.s32 $0x5800  }
0x50: {  	[hbm4b:s7+s2] =	stream.indirect_vreg.scatter [tilespmem:s4], [sflag:$0x3], $0x80, v4, vm0, $0xb8;
	[tilespmem:$0x10200] =	vst v63  }
0x51: {  	s12 =	simm.s32 $0x6000  }
0x52: {  	[hbm4b:s3+s2] =	stream.indirect_vreg.scatter [tilespmem:s12], [sflag:$0x3], $0x80, v3, vm0, $0xb8;
	[tilespmem:$0x10200] =	vst v63  }
0x53: {  	s13 =	simm.s32 $0x6800  }
0x54: {  	[hbm4b:s5+s2] =	stream.indirect_vreg.scatter [tilespmem:s13], [sflag:$0x3], $0x80, v3, vm0, $0xb8;
	[tilespmem:$0x10200] =	vst v63  }
0x55: {  	s14 =	simm.s32 $0x7000  }
0x56: {  	[hbm4b:s6+s2] =	stream.indirect_vreg.scatter [tilespmem:s14], [sflag:$0x3], $0x80, v3, vm0, $0xb8;
	[tilespmem:$0x10200] =	vst v63  }
0x57: {  	s15 =	simm.s32 $0x7800  }
0x58: {  	[hbm4b:s7+s2] =	stream.indirect_vreg.scatter [tilespmem:s15], [sflag:$0x3], $0x80, v3, vm0, $0xb8;
	[tilespmem:$0x10200] =	vst v63  }
0x59: {  	v3 =	vld [tilespmem:$0x10080];
	_ =	sdelay $0x4  }
0x5a: {  	v58 =	vshll.u32 v3, $0x3  }
0x5b: {  	v3 =	vand.u32 $0x7, v3;
	v4 =	vand.u32 $0xFFFFFFC0, v58  }
0x5c: {  	v3 =	vor.u32 v3, v4  }
0x5d: {  	v4 =	vperm.xlane v3, v0;
	_ =	sdelay $0x1  }
0x5e: {  	v4 =	vadd.s32 v1, v4;
	_ =	sdelay $0x4  }
0x5f: {  	[hbm4b:s3+s2] =	stream.indirect_vreg.scatter [tilespmem:s2], [sflag:$0x3], $0x80, v4, vm0, $0xb8;
	[tilespmem:$0x10200] =	vst v63  }
0x60: {  	v3 =	vperm.xlane v3, v2  }
0x61: {  	[hbm4b:s5+s2] =	stream.indirect_vreg.scatter [tilespmem:s22], [sflag:$0x3], $0x80, v4, vm0, $0xb8;
	[tilespmem:$0x10200] =	vst v63  }
0x62: {  	v3 =	vadd.s32 v1, v3  }
0x63: {  	[hbm4b:s6+s2] =	stream.indirect_vreg.scatter [tilespmem:s23], [sflag:$0x3], $0x80, v4, vm0, $0xb8;
	[tilespmem:$0x10200] =	vst v63  }
0x64: {  	_ = 	snop  }
0x65: {  	[hbm4b:s7+s2] =	stream.indirect_vreg.scatter [tilespmem:s24], [sflag:$0x3], $0x80, v4, vm0, $0xb8;
	[tilespmem:$0x10200] =	vst v63  }
0x66: {  	_ = 	snop  }
0x67: {  	[hbm4b:s3+s2] =	stream.indirect_vreg.scatter [tilespmem:s25], [sflag:$0x3], $0x80, v3, vm0, $0xb8;
	[tilespmem:$0x10200] =	vst v63  }
0x68: {  	_ = 	snop  }
0x69: {  	[hbm4b:s5+s2] =	stream.indirect_vreg.scatter [tilespmem:s26], [sflag:$0x3], $0x80, v3, vm0, $0xb8;
	[tilespmem:$0x10200] =	vst v63  }
0x6a: {  	_ = 	snop  }
0x6b: {  	[hbm4b:s6+s2] =	stream.indirect_vreg.scatter [tilespmem:s29], [sflag:$0x3], $0x80, v3, vm0, $0xb8;
	[tilespmem:$0x10200] =	vst v63  }
0x6c: {  	_ = 	snop  }
0x6d: {  	[hbm4b:s7+s2] =	stream.indirect_vreg.scatter [tilespmem:s30], [sflag:$0x3], $0x80, v3, vm0, $0xb8;
	[tilespmem:$0x10200] =	vst v63  }
0x6e: {  	v3 =	vld [tilespmem:$0x10090];
	_ =	sdelay $0x4  }
0x6f: {  	v59 =	vshll.u32 v3, $0x3  }
0x70: {  	v3 =	vand.u32 $0x7, v3;
	v4 =	vand.u32 $0xFFFFFFC0, v59  }
0x71: {  	v3 =	vor.u32 v3, v4  }
0x72: {  	v4 =	vperm.xlane v3, v0;
	_ =	sdelay $0x1  }
0x73: {  	v4 =	vadd.s32 v1, v4;
	_ =	sdelay $0x4  }
0x74: {  	[hbm4b:s3+s2] =	stream.indirect_vreg.scatter [tilespmem:s31], [sflag:$0x3], $0x80, v4, vm0, $0xb8;
	[tilespmem:$0x10200] =	vst v63  }
0x75: {  	v3 =	vperm.xlane v3, v2  }
0x76: {  	[hbm4b:s5+s2] =	stream.indirect_vreg.scatter [tilespmem:s0], [sflag:$0x3], $0x80, v4, vm0, $0xb8;
	[tilespmem:$0x10200] =	vst v63  }
0x77: {  	v3 =	vadd.s32 v1, v3  }
0x78: {  	[hbm4b:s6+s2] =	stream.indirect_vreg.scatter [tilespmem:s1], [sflag:$0x3], $0x80, v4, vm0, $0xb8;
	[tilespmem:$0x10200] =	vst v63  }
0x79: {  	_ = 	snop  }
0x7a: {  	[hbm4b:s7+s2] =	stream.indirect_vreg.scatter [tilespmem:s4], [sflag:$0x3], $0x80, v4, vm0, $0xb8;
	[tilespmem:$0x10200] =	vst v63  }
0x7b: {  	_ = 	snop  }
0x7c: {  	[hbm4b:s3+s2] =	stream.indirect_vreg.scatter [tilespmem:s12], [sflag:$0x3], $0x80, v3, vm0, $0xb8;
	[tilespmem:$0x10200] =	vst v63  }
0x7d: {  	_ = 	snop  }
0x7e: {  	[hbm4b:s5+s2] =	stream.indirect_vreg.scatter [tilespmem:s13], [sflag:$0x3], $0x80, v3, vm0, $0xb8;
	[tilespmem:$0x10200] =	vst v63  }
0x7f: {  	_ = 	snop  }
0x80: {  	[hbm4b:s6+s2] =	stream.indirect_vreg.scatter [tilespmem:s14], [sflag:$0x3], $0x80, v3, vm0, $0xb8;
	[tilespmem:$0x10200] =	vst v63  }
0x81: {  	_ = 	snop  }
0x82: {  	[hbm4b:s7+s2] =	stream.indirect_vreg.scatter [tilespmem:s15], [sflag:$0x3], $0x80, v3, vm0, $0xb8;
	[tilespmem:$0x10200] =	vst v63  }
0x83: {  	_ =	swait.ge [sflag:s28], $0x8000  }
0x84: {  	[sflag:s28] =	ssyncset.done $0x0  }
0x85: {  	[sflag:s28] =	ssyncadd.s32 $0xFFFF8000  }
0x86: {  	v3 =	vld [tilespmem:$0x10100];
	_ =	sdelay $0x4  }
0x87: {  	v60 =	vshll.u32 v3, $0x3  }
0x88: {  	v3 =	vand.u32 $0x7, v3;
	v4 =	vand.u32 $0xFFFFFFC0, v60  }
0x89: {  	v3 =	vor.u32 v3, v4  }
0x8a: {  	v4 =	vperm.xlane v3, v0;
	_ =	sdelay $0x1  }
0x8b: {  	v4 =	vadd.s32 v1, v4;
	_ =	sdelay $0x4  }
0x8c: {  	[hbm4b:s3+s2] =	stream.indirect_vreg.scatter [tilespmem:s9], [sflag:$0x3], $0x80, v4, vm0, $0xb8;
	[tilespmem:$0x10200] =	vst v63  }
0x8d: {  	s0 =	simm.s32 $0x8800;
	v3 =	vperm.xlane v3, v2  }
0x8e: {  	[hbm4b:s5+s2] =	stream.indirect_vreg.scatter [tilespmem:s0], [sflag:$0x3], $0x80, v4, vm0, $0xb8;
	[tilespmem:$0x10200] =	vst v63  }
0x8f: {  	s1 =	simm.s32 $0x9000;
	v3 =	vadd.s32 v1, v3  }
0x90: {  	[hbm4b:s6+s2] =	stream.indirect_vreg.scatter [tilespmem:s1], [sflag:$0x3], $0x80, v4, vm0, $0xb8;
	[tilespmem:$0x10200] =	vst v63  }
0x91: {  	s4 =	simm.s32 $0x9800  }
0x92: {  	[hbm4b:s7+s2] =	stream.indirect_vreg.scatter [tilespmem:s4], [sflag:$0x3], $0x80, v4, vm0, $0xb8;
	[tilespmem:$0x10200] =	vst v63  }
0x93: {  	s12 =	simm.s32 $0xA000  }
0x94: {  	[hbm4b:s3+s2] =	stream.indirect_vreg.scatter [tilespmem:s12], [sflag:$0x3], $0x80, v3, vm0, $0xb8;
	[tilespmem:$0x10200] =	vst v63  }
0x95: {  	s13 =	simm.s32 $0xA800  }
0x96: {  	[hbm4b:s5+s2] =	stream.indirect_vreg.scatter [tilespmem:s13], [sflag:$0x3], $0x80, v3, vm0, $0xb8;
	[tilespmem:$0x10200] =	vst v63  }
0x97: {  	s14 =	simm.s32 $0xB000  }
0x98: {  	[hbm4b:s6+s2] =	stream.indirect_vreg.scatter [tilespmem:s14], [sflag:$0x3], $0x80, v3, vm0, $0xb8;
	[tilespmem:$0x10200] =	vst v63  }
0x99: {  	s15 =	simm.s32 $0xB800  }
0x9a: {  	[hbm4b:s7+s2] =	stream.indirect_vreg.scatter [tilespmem:s15], [sflag:$0x3], $0x80, v3, vm0, $0xb8;
	[tilespmem:$0x10200] =	vst v63  }
0x9b: {  	v3 =	vld [tilespmem:$0x10110];
	_ =	sdelay $0x4  }
0x9c: {  	v61 =	vshll.u32 v3, $0x3  }
0x9d: {  	v3 =	vand.u32 $0x7, v3;
	v4 =	vand.u32 $0xFFFFFFC0, v61  }
0x9e: {  	v3 =	vor.u32 v3, v4  }
0x9f: {  	v4 =	vperm.xlane v3, v0;
	_ =	sdelay $0x1  }
0xa0: {  	v4 =	vadd.s32 v1, v4;
	_ =	sdelay $0x3  }
0xa1: {  	s22 =	simm.s32 $0xC000  }
0xa2: {  	[hbm4b:s3+s2] =	stream.indirect_vreg.scatter [tilespmem:s22], [sflag:$0x3], $0x80, v4, vm0, $0xb8;
	[tilespmem:$0x10200] =	vst v63  }
0xa3: {  	s23 =	simm.s32 $0xC800;
	v3 =	vperm.xlane v3, v2  }
0xa4: {  	[hbm4b:s5+s2] =	stream.indirect_vreg.scatter [tilespmem:s23], [sflag:$0x3], $0x80, v4, vm0, $0xb8;
	[tilespmem:$0x10200] =	vst v63  }
0xa5: {  	s24 =	simm.s32 $0xD000;
	v3 =	vadd.s32 v1, v3  }
0xa6: {  	[hbm4b:s6+s2] =	stream.indirect_vreg.scatter [tilespmem:s24], [sflag:$0x3], $0x80, v4, vm0, $0xb8;
	[tilespmem:$0x10200] =	vst v63  }
0xa7: {  	_ = 	snop  }
0xa8: {  	[hbm4b:s7+s2] =	stream.indirect_vreg.scatter [tilespmem:s16], [sflag:$0x3], $0x80, v4, vm0, $0xb8;
	[tilespmem:$0x10200] =	vst v63  }
0xa9: {  	_ = 	snop  }
0xaa: {  	[hbm4b:s3+s2] =	stream.indirect_vreg.scatter [tilespmem:s17], [sflag:$0x3], $0x80, v3, vm0, $0xb8;
	[tilespmem:$0x10200] =	vst v63  }
0xab: {  	_ = 	snop  }
0xac: {  	[hbm4b:s5+s2] =	stream.indirect_vreg.scatter [tilespmem:s18], [sflag:$0x3], $0x80, v3, vm0, $0xb8;
	[tilespmem:$0x10200] =	vst v63  }
0xad: {  	_ = 	snop  }
0xae: {  	[hbm4b:s6+s2] =	stream.indirect_vreg.scatter [tilespmem:s19], [sflag:$0x3], $0x80, v3, vm0, $0xb8;
	[tilespmem:$0x10200] =	vst v63  }
0xaf: {  	_ = 	snop  }
0xb0: {  	[hbm4b:s7+s2] =	stream.indirect_vreg.scatter [tilespmem:s20], [sflag:$0x3], $0x80, v3, vm0, $0xb8;
	[tilespmem:$0x10200] =	vst v63  }
0xb1: {  	v3 =	vld [tilespmem:$0x10180];
	_ =	sdelay $0x4  }
0xb2: {  	v62 =	vshll.u32 v3, $0x3  }
0xb3: {  	v3 =	vand.u32 $0x7, v3;
	v4 =	vand.u32 $0xFFFFFFC0, v62  }
0xb4: {  	v3 =	vor.u32 v3, v4  }
0xb5: {  	v4 =	vperm.xlane v3, v0;
	_ =	sdelay $0x1  }
0xb6: {  	v4 =	vadd.s32 v1, v4;
	_ =	sdelay $0x4  }
0xb7: {  	[hbm4b:s3+s2] =	stream.indirect_vreg.scatter [tilespmem:s9], [sflag:$0x3], $0x80, v4, vm0, $0xb8;
	[tilespmem:$0x10200] =	vst v63  }
0xb8: {  	v3 =	vperm.xlane v3, v2  }
0xb9: {  	[hbm4b:s5+s2] =	stream.indirect_vreg.scatter [tilespmem:s0], [sflag:$0x3], $0x80, v4, vm0, $0xb8;
	[tilespmem:$0x10200] =	vst v63  }
0xba: {  	v3 =	vadd.s32 v1, v3  }
0xbb: {  	[hbm4b:s6+s2] =	stream.indirect_vreg.scatter [tilespmem:s1], [sflag:$0x3], $0x80, v4, vm0, $0xb8;
	[tilespmem:$0x10200] =	vst v63  }
0xbc: {  	_ = 	snop  }
0xbd: {  	[hbm4b:s7+s2] =	stream.indirect_vreg.scatter [tilespmem:s4], [sflag:$0x3], $0x80, v4, vm0, $0xb8;
	[tilespmem:$0x10200] =	vst v63  }
0xbe: {  	_ = 	snop  }
0xbf: {  	[hbm4b:s3+s2] =	stream.indirect_vreg.scatter [tilespmem:s12], [sflag:$0x3], $0x80, v3, vm0, $0xb8;
	[tilespmem:$0x10200] =	vst v63  }
0xc0: {  	_ = 	snop  }
0xc1: {  	[hbm4b:s5+s2] =	stream.indirect_vreg.scatter [tilespmem:s13], [sflag:$0x3], $0x80, v3, vm0, $0xb8;
	[tilespmem:$0x10200] =	vst v63  }
0xc2: {  	_ = 	snop  }
0xc3: {  	[hbm4b:s6+s2] =	stream.indirect_vreg.scatter [tilespmem:s14], [sflag:$0x3], $0x80, v3, vm0, $0xb8;
	[tilespmem:$0x10200] =	vst v63  }
0xc4: {  	_ = 	snop  }
0xc5: {  	[hbm4b:s7+s2] =	stream.indirect_vreg.scatter [tilespmem:s15], [sflag:$0x3], $0x80, v3, vm0, $0xb8;
	[tilespmem:$0x10200] =	vst v63  }
0xc6: {  	v3 =	vld [tilespmem:$0x10190];
	_ =	sdelay $0x4  }
0xc7: {  	v63 =	vshll.u32 v3, $0x3  }
0xc8: {  	v3 =	vand.u32 $0x7, v3;
	v4 =	vand.u32 $0xFFFFFFC0, v63  }
0xc9: {  	v3 =	vor.u32 v3, v4  }
0xca: {  	v4 =	vperm.xlane v3, v0;
	_ =	sdelay $0x1  }
0xcb: {  	v4 =	vadd.s32 v1, v4;
	_ =	sdelay $0x4  }
0xcc: {  	[hbm4b:s3+s2] =	stream.indirect_vreg.scatter [tilespmem:s22], [sflag:$0x3], $0x80, v4, vm0, $0xb8;
	[tilespmem:$0x10200] =	vst v63  }
0xcd: {  	v3 =	vperm.xlane v3, v2  }
0xce: {  	[hbm4b:s5+s2] =	stream.indirect_vreg.scatter [tilespmem:s23], [sflag:$0x3], $0x80, v4, vm0, $0xb8;
	[tilespmem:$0x10200] =	vst v63  }
0xcf: {  	v3 =	vadd.s32 v1, v3  }
0xd0: {  	[hbm4b:s6+s2] =	stream.indirect_vreg.scatter [tilespmem:s24], [sflag:$0x3], $0x80, v4, vm0, $0xb8;
	[tilespmem:$0x10200] =	vst v63  }
0xd1: {  	_ = 	snop  }
0xd2: {  	[hbm4b:s7+s2] =	stream.indirect_vreg.scatter [tilespmem:s16], [sflag:$0x3], $0x80, v4, vm0, $0xb8;
	[tilespmem:$0x10200] =	vst v63  }
0xd3: {  	_ = 	snop  }
0xd4: {  	[hbm4b:s3+s2] =	stream.indirect_vreg.scatter [tilespmem:s17], [sflag:$0x3], $0x80, v3, vm0, $0xb8;
	[tilespmem:$0x10200] =	vst v63  }
0xd5: {  	_ = 	snop  }
0xd6: {  	[hbm4b:s5+s2] =	stream.indirect_vreg.scatter [tilespmem:s18], [sflag:$0x3], $0x80, v3, vm0, $0xb8;
	[tilespmem:$0x10200] =	vst v63  }
0xd7: {  	_ = 	snop  }
0xd8: {  	[hbm4b:s6+s2] =	stream.indirect_vreg.scatter [tilespmem:s19], [sflag:$0x3], $0x80, v3, vm0, $0xb8;
	[tilespmem:$0x10200] =	vst v63  }
0xd9: {  	_ = 	snop  }
0xda: {  	[hbm4b:s7+s2] =	stream.indirect_vreg.scatter [tilespmem:s20], [sflag:$0x3], $0x80, v3, vm0, $0xb8;
	[tilespmem:$0x10200] =	vst v63  }
0xdb: {  	_ =	swait.ge [sflag:s21], $0x8000  }
0xdc: {  	[sflag:s21] =	ssyncset.done $0x0  }
0xdd: {  	[sflag:s21] =	ssyncadd.s32 $0xFFFF8000  }
0xde: {  	_ =	swait.ge [sflag:s21], $0x8000  }
0xdf: {  	[sflag:s21] =	ssyncset.done $0x0  }
0xe0: {  	[sflag:s21] =	ssyncadd.s32 $0xFFFF8000  }
0xe1: {  	p0 =	sne.s32 s8, $0x1;
	_ =	swait.ge [sflag:s21], $0x8000  }
.Ltmp0:
0xe2: {  	[sflag:s21] =	ssyncset.done $0x0;
	(pc) =	sbr.rel @p0 .LBB2_1-.Ltmp0, $4  }
0xe3: {  	[sflag:s21] =	ssyncadd.s32 $0xFFFF8000  }
0xe4: {  	_ =	swait.ge [sflag:s21], $0x8000  }
0xe5: {  	[sflag:s21] =	ssyncset.done $0x0  }
0xe6: {  	s8 =	sadd.s32 $0xFFFFFFFF, s8;
	[sflag:s21] =	ssyncadd.s32 $0xFFFF8000  }
0xe7: {  	_ =	sfence.sel $0x180000  }
0xe8: {  	[bflag:$0x0] =	sbarrier.arrive $0xFFFF  }
0xe9: {  	_ =	strace $0x90000047  }
0xea: {  	s0 =	stileid.u32;
	[bflag:$0x2] =	sbarrier.arrive $0xFFFF  }
0xeb: {  	p0 =	sne.s32 s0, $0x0;
	s0 =	rddreg [dreg:$0x2]  }
0xec: {  	s0 =	sadd.s32 @!p0 $0x100000, s0  }
0xed: {  	[sflag:s0] =	ssyncadd.tile.s32 @!p0 $0x1;
	_ =	shalt  }
.Lfunc_end2:
_tile_overlayer_lowered:
.L_overlay_start_2:
0xee: {  	(tag) =	ssettag $0x2  }
0xef: {  	s0 =	rddreg [dreg:$0x0];
	s2 =	stileid.u32  }
0xf0: {  	s1 =	rddreg [dreg:$0x1];
	p0 =	sne.s32 s2, $0x0  }
0xf1: {  	s3 =	rddreg [dreg:$0x2];
	[bflag:$0x3] =	sbarrier.arrive $0xFFFF;
	s2 =	simm.s32 @!p0 $0x1C04  }
0xf2: {  	[timem:s3], [sflag:s2] =	dma.local @!p0 [hbm:s0], s1  }
0xf3: {  	s0 =	simm.s32 @!p0 $0x4  }
0xf4: {  	_ =	swait.ge @!p0 [sflag:s0], s1  }
0xf5: {  	s1 =	ssub.s32 @!p0 $0x0, s1;
	[sflag:s0] =	ssyncset.done @!p0 $0x0  }
0xf6: {  	[sflag:s0] =	ssyncadd.s32 @!p0 s1  }
0xf7: {  	[bflag:$0x3] =	sbarrier.arrive $0xFFFF  }
0xf8: {  	_ =	shalt  }

</sc_bundles>
